<compile_context>
chip_gen: v7x
topology: tpu7x:2x2x1
jax: 0.10.2.dev20260603
libtpu: 0.0.44.dev20260713+nightly
codegen_flags: <defaults>
</compile_context>

<pallas_src>
import functools

import jax
import jax.numpy as jnp
from jax import lax
from jax.experimental import pallas as pl
from jax.experimental.pallas import tpu as pltpu
from jax.experimental.pallas import tpu_sc as plsc

N = 320000
D = 128
SEG = 10000
SEGP = 10240
NC = 2
NS = 16
NW = NC * NS
ROWS_W = N // NW
C = 128
K = ROWS_W // C
T = ROWS_W - K * C
SEG_T = SEGP // NS


def _sc_body(emb_hbm, idxa_hbm, idxb_hbm, out_hbm, idx_v, idx_t, acc, buf0,
             buf1, sem0, sem1):
    c = lax.axis_index("c")
    s = lax.axis_index("s")
    wid = c * NS + s
    row_base = wid * ROWS_W

    zeros = jnp.zeros((16,), jnp.float32)

    def _zrow(i, _):
        for j in range(D // 16):
            buf0[i, pl.ds(j * 16, 16)] = zeros
        return 0

    pltpu.async_copy(emb_hbm.at[pl.ds(row_base, C)], buf1, sem1)
    lax.fori_loop(0, C, _zrow, 0)
    for r in range(SEG_T // C):
        pltpu.sync_copy(buf0, acc.at[pl.ds(s * SEG_T + r * C, C)])

    pltpu.sync_copy(idxa_hbm.at[wid], idx_v)
    pltpu.sync_copy(idxb_hbm.at[wid], idx_t)

    plsc.subcore_barrier()

    def _gather(g, buf, sem):
        pltpu.async_copy(emb_hbm.at[pl.ds(row_base + g * C, C)], buf, sem)

    def _gwait(buf, sem):
        pltpu.make_async_copy(emb_hbm.at[pl.ds(row_base, C)], buf, sem).wait()

    def _scat(g, buf):
        pltpu.sync_copy(buf, acc.at[idx_v.at[g]], add=True)

    def _pair(i, _):
        g = 2 * i
        _gather(g + 1, buf0, sem0)
        _gwait(buf1, sem1)
        _scat(g, buf1)
        _gather(g + 2, buf1, sem1)
        _gwait(buf0, sem0)
        _scat(g + 1, buf0)
        return 0

    lax.fori_loop(0, (K - 2) // 2, _pair, 0)
    _gather(K - 1, buf0, sem0)
    _gwait(buf1, sem1)
    _scat(K - 2, buf1)
    pltpu.async_copy(emb_hbm.at[pl.ds(row_base + K * C, T)],
                     buf1.at[pl.ds(0, T)], sem1)
    _gwait(buf0, sem0)
    _scat(K - 1, buf0)
    pltpu.make_async_copy(emb_hbm.at[pl.ds(row_base, T)],
                          buf1.at[pl.ds(0, T)], sem1).wait()
    pltpu.sync_copy(buf1.at[pl.ds(0, T)], acc.at[idx_t.at[0]], add=True)

    plsc.subcore_barrier()

    pltpu.sync_copy(
        acc.at[pl.ds(s * SEG_T, SEG_T)],
        out_hbm.at[c, pl.ds(s * SEG_T, SEG_T)],
    )


@functools.partial(
    pl.kernel,
    mesh=plsc.VectorSubcoreMesh(core_axis_name="c", subcore_axis_name="s"),
    out_type=jax.ShapeDtypeStruct((NC, SEGP, D), jnp.float32),
    scratch_types=[
        pltpu.VMEM((K, C), jnp.int32),
        pltpu.VMEM((1, T), jnp.int32),
        pltpu.VMEM_SHARED((SEGP, D), jnp.float32),
        pltpu.VMEM((C, D), jnp.float32),
        pltpu.VMEM((C, D), jnp.float32),
        pltpu.SemaphoreType.DMA,
        pltpu.SemaphoreType.DMA,
    ],
)
def _sc_segment_sum(emb_hbm, idxa_hbm, idxb_hbm, out_hbm, idx_v, idx_t, acc,
                    buf0, buf1, sem0, sem1):
    _sc_body(emb_hbm, idxa_hbm, idxb_hbm, out_hbm, idx_v, idx_t, acc, buf0,
             buf1, sem0, sem1)


def _combine_body(a_ref, b_ref, o_ref):
    o_ref[...] = a_ref[0] + b_ref[0]


def kernel(embedding, fragment_regionxcell_ix, cell_n, region_n):
    del cell_n, region_n
    idx2 = fragment_regionxcell_ix.reshape(NW, ROWS_W)
    idxa = idx2[:, : K * C].reshape(NW, K, C)
    idxb = idx2[:, K * C :].reshape(NW, 1, T)
    partials = _sc_segment_sum(embedding, idxa, idxb)
    out = pl.pallas_call(
        _combine_body,
        grid=(10,),
        in_specs=[
            pl.BlockSpec((1, SEG // 10, D), lambda i: (0, i, 0)),
            pl.BlockSpec((1, SEG // 10, D), lambda i: (1, i, 0)),
        ],
        out_specs=pl.BlockSpec((SEG // 10, D), lambda i: (i, 0)),
        out_shape=jax.ShapeDtypeStruct((SEG, D), jnp.float32),
    )(partials, partials)
    return out.reshape(10, 1000, D)

# --- scband reference (transcript-rebuilt; emitter-appended) ---
"""Pipeline reference for scband-embedding-gene-pooler-45157286150931 (READ-ONLY COPY).

The authoritative reference and input builder live on the scoring server;
editing this copy changes nothing except your own understanding.
"""

import jax, jax.numpy as jnp
import numpy as np


def setup_inputs(seed: int = 0) -> dict:
    key = jax.random.key(seed)
    k1, k2 = jax.random.split(key)
    N = 320000
    d = 128
    cell_n = 1000
    region_n = 10
    embedding = jax.random.normal(k1, (N, d), dtype=jnp.float32)
    fragment_regionxcell_ix = jnp.sort(
        jax.random.randint(k2, (N,), 0, cell_n * region_n, dtype=jnp.int32)
    )
    return {
        "embedding": embedding,
        "fragment_regionxcell_ix": fragment_regionxcell_ix,
        "cell_n": cell_n,
        "region_n": region_n,
    }


def reference(embedding, fragment_regionxcell_ix, cell_n, region_n):
    cell_n_static = 1000
    region_n_static = 10
    fragment_regionxcell_ix = fragment_regionxcell_ix + (cell_n * region_n) * 0
    # segment_sum_coo with dim_size = cell_n * region_n (reduce='sum')
    regionxcell_embedding = jax.ops.segment_sum(
        embedding, fragment_regionxcell_ix, num_segments=cell_n_static * region_n_static
    )
    region_cell_embedding = regionxcell_embedding.reshape(
        (region_n_static, cell_n_static, regionxcell_embedding.shape[-1])
    )
    return region_cell_embedding

if __name__ == "__main__":
    import jax
    _d = setup_inputs()
    print(jax.jit(kernel)(*tuple(_d.values())))

</pallas_src>

<mosaic_0001>
#map = affine_map<(d0, d1) -> (0, 0)>
#map1 = affine_map<(d0, d1) -> (0, 0, 0)>
module attributes {stable_mosaic.version = 14 : i64} {
  func.func @_sc_segment_sum(%arg0: i32, %arg1: i32, %arg2: memref<320000x128xf32, #tpu.memory_space<hbm>>, %arg3: memref<32x78x128xi32, #tpu.memory_space<hbm>>, %arg4: memref<32x1x16xi32, #tpu.memory_space<hbm>>, %arg5: memref<2x10240x128xf32, #tpu.memory_space<hbm>>, %arg6: memref<78x128xi32, #tpu.memory_space<vmem>>, %arg7: memref<1x16xi32, #tpu.memory_space<vmem>>, %arg8: memref<10240x128xf32, #tpu.memory_space<vmem_shared>>, %arg9: memref<128x128xf32, #tpu.memory_space<vmem>>, %arg10: memref<128x128xf32, #tpu.memory_space<vmem>>, %arg11: memref<!tpu.dma_semaphore, #tpu.memory_space<semaphore_mem>>, %arg12: memref<!tpu.dma_semaphore, #tpu.memory_space<semaphore_mem>>) attributes {dimension_semantics = [#tpu.dimension_semantics<core_parallel>, #tpu.dimension_semantics<subcore_parallel>], iteration_bounds = array<i64: 2, 16>, scalar_prefetch = 0 : i64, scratch_operands = 7 : i64, tpu.core_type = #tpu.core_type<sc_vector_subcore>, window_params = [{transform_indices = #map}, {transform_indices = #map1}, {transform_indices = #map1}, {transform_indices = #map1}]} {
    %mul3A = arith.constant 16 : i32
    %mul3A_0 = arith.muli %arg0, %mul3A : i32
    %add3A = arith.addi %mul3A_0, %arg1 : i32
    %mul3A_1 = arith.constant 10000 : i32
    %mul3A_2 = arith.muli %add3A, %mul3A_1 : i32
    %broadcast_in_dim3A = arith.constant 0.000000e+00 : f32
    %broadcast_in_dim3A_3 = vector.broadcast %broadcast_in_dim3A : f32 to vector<16xf32>
    %dma_start3A = arith.constant 0 : i32
    %dma_start3A_4 = tpu.memref_slice %arg2[%mul3A_2, %dma_start3A] : memref<320000x128xf32, #tpu.memory_space<hbm>> -> memref<128x128xf32, #tpu.memory_space<hbm>>
    %dma_start3A_5 = arith.constant 0 : i32
    %dma_start3A_6 = tpu.memref_slice %arg2[%mul3A_2, %dma_start3A_5] : memref<320000x128xf32, #tpu.memory_space<hbm>> -> memref<128x128xf32, #tpu.memory_space<hbm>>
    tpu.enqueue_dma source(%dma_start3A_6 : memref<128x128xf32, #tpu.memory_space<hbm>>) target(%arg10 : memref<128x128xf32, #tpu.memory_space<vmem>>) target_semaphore(%arg12 : memref<!tpu.dma_semaphore, #tpu.memory_space<semaphore_mem>>)
    %scan3A = arith.constant 0 : i32
    %scan3A_7 = arith.constant 0 : i32
    %scan3A_8 = arith.constant 128 : i32
    %scan3A_9 = arith.addi %scan3A_7, %scan3A_8 : i32
    %scan3A_10 = arith.constant 1 : i32
    %scan3A_11 = scf.for %scan3A_82 = %scan3A_7 to %scan3A_9 step %scan3A_10 iter_args(%scan3A_83 = %scan3A) -> (i32)  : i32 {
      %swap3A = arith.index_cast %scan3A_82 : i32 to index
      %swap3A_84 = arith.constant 0 : index
      %swap3A_85 = tpu.vector_load %arg9[%swap3A, %swap3A_84] {strides = array<i32>} : memref<128x128xf32, #tpu.memory_space<vmem>>, vector<1x16xf32>,
      %swap3A_86 = vector.shape_cast %swap3A_85 : vector<1x16xf32> to vector<16xf32>
      %swap3A_87 = vector.shape_cast %broadcast_in_dim3A_3 : vector<16xf32> to vector<1x16xf32>
      tpu.vector_store %arg9[%swap3A, %swap3A_84], %swap3A_87 {strides = array<i32>} : memref<128x128xf32, #tpu.memory_space<vmem>>, vector<1x16xf32>,
      %swap3A_88 = arith.index_cast %scan3A_82 : i32 to index
      %swap3A_89 = arith.constant 16 : index
      %swap3A_90 = tpu.vector_load %arg9[%swap3A_88, %swap3A_89] {strides = array<i32>} : memref<128x128xf32, #tpu.memory_space<vmem>>, vector<1x16xf32>,
      %swap3A_91 = vector.shape_cast %swap3A_90 : vector<1x16xf32> to vector<16xf32>
      %swap3A_92 = vector.shape_cast %broadcast_in_dim3A_3 : vector<16xf32> to vector<1x16xf32>
      tpu.vector_store %arg9[%swap3A_88, %swap3A_89], %swap3A_92 {strides = array<i32>} : memref<128x128xf32, #tpu.memory_space<vmem>>, vector<1x16xf32>,
      %swap3A_93 = arith.index_cast %scan3A_82 : i32 to index
      %swap3A_94 = arith.constant 32 : index
      %swap3A_95 = tpu.vector_load %arg9[%swap3A_93, %swap3A_94] {strides = array<i32>} : memref<128x128xf32, #tpu.memory_space<vmem>>, vector<1x16xf32>,
      %swap3A_96 = vector.shape_cast %swap3A_95 : vector<1x16xf32> to vector<16xf32>
      %swap3A_97 = vector.shape_cast %broadcast_in_dim3A_3 : vector<16xf32> to vector<1x16xf32>
      tpu.vector_store %arg9[%swap3A_93, %swap3A_94], %swap3A_97 {strides = array<i32>} : memref<128x128xf32, #tpu.memory_space<vmem>>, vector<1x16xf32>,
      %swap3A_98 = arith.index_cast %scan3A_82 : i32 to index
      %swap3A_99 = arith.constant 48 : index
      %swap3A_100 = tpu.vector_load %arg9[%swap3A_98, %swap3A_99] {strides = array<i32>} : memref<128x128xf32, #tpu.memory_space<vmem>>, vector<1x16xf32>,
      %swap3A_101 = vector.shape_cast %swap3A_100 : vector<1x16xf32> to vector<16xf32>
      %swap3A_102 = vector.shape_cast %broadcast_in_dim3A_3 : vector<16xf32> to vector<1x16xf32>
      tpu.vector_store %arg9[%swap3A_98, %swap3A_99], %swap3A_102 {strides = array<i32>} : memref<128x128xf32, #tpu.memory_space<vmem>>, vector<1x16xf32>,
      %swap3A_103 = arith.index_cast %scan3A_82 : i32 to index
      %swap3A_104 = arith.constant 64 : index
      %swap3A_105 = tpu.vector_load %arg9[%swap3A_103, %swap3A_104] {strides = array<i32>} : memref<128x128xf32, #tpu.memory_space<vmem>>, vector<1x16xf32>,
      %swap3A_106 = vector.shape_cast %swap3A_105 : vector<1x16xf32> to vector<16xf32>
      %swap3A_107 = vector.shape_cast %broadcast_in_dim3A_3 : vector<16xf32> to vector<1x16xf32>
      tpu.vector_store %arg9[%swap3A_103, %swap3A_104], %swap3A_107 {strides = array<i32>} : memref<128x128xf32, #tpu.memory_space<vmem>>, vector<1x16xf32>,
      %swap3A_108 = arith.index_cast %scan3A_82 : i32 to index
      %swap3A_109 = arith.constant 80 : index
      %swap3A_110 = tpu.vector_load %arg9[%swap3A_108, %swap3A_109] {strides = array<i32>} : memref<128x128xf32, #tpu.memory_space<vmem>>, vector<1x16xf32>,
      %swap3A_111 = vector.shape_cast %swap3A_110 : vector<1x16xf32> to vector<16xf32>
      %swap3A_112 = vector.shape_cast %broadcast_in_dim3A_3 : vector<16xf32> to vector<1x16xf32>
      tpu.vector_store %arg9[%swap3A_108, %swap3A_109], %swap3A_112 {strides = array<i32>} : memref<128x128xf32, #tpu.memory_space<vmem>>, vector<1x16xf32>,
      %swap3A_113 = arith.index_cast %scan3A_82 : i32 to index
      %swap3A_114 = arith.constant 96 : index
      %swap3A_115 = tpu.vector_load %arg9[%swap3A_113, %swap3A_114] {strides = array<i32>} : memref<128x128xf32, #tpu.memory_space<vmem>>, vector<1x16xf32>,
      %swap3A_116 = vector.shape_cast %swap3A_115 : vector<1x16xf32> to vector<16xf32>
      %swap3A_117 = vector.shape_cast %broadcast_in_dim3A_3 : vector<16xf32> to vector<1x16xf32>
      tpu.vector_store %arg9[%swap3A_113, %swap3A_114], %swap3A_117 {strides = array<i32>} : memref<128x128xf32, #tpu.memory_space<vmem>>, vector<1x16xf32>,
      %swap3A_118 = arith.index_cast %scan3A_82 : i32 to index
      %swap3A_119 = arith.constant 112 : index
      %swap3A_120 = tpu.vector_load %arg9[%swap3A_118, %swap3A_119] {strides = array<i32>} : memref<128x128xf32, #tpu.memory_space<vmem>>, vector<1x16xf32>,
      %swap3A_121 = vector.shape_cast %swap3A_120 : vector<1x16xf32> to vector<16xf32>
      %swap3A_122 = vector.shape_cast %broadcast_in_dim3A_3 : vector<16xf32> to vector<1x16xf32>
      tpu.vector_store %arg9[%swap3A_118, %swap3A_119], %swap3A_122 {strides = array<i32>} : memref<128x128xf32, #tpu.memory_space<vmem>>, vector<1x16xf32>,
      %scan3A_123 = arith.constant 0 : i32
      scf.yield %scan3A_123 : i32
    }
    %scan3A_12 = arith.constant 128 : i32
    %mul3A_13 = arith.constant 640 : i32
    %mul3A_14 = arith.muli %arg1, %mul3A_13 : i32
    %add3A_15 = arith.constant 0 : i32
    %add3A_16 = arith.addi %mul3A_14, %add3A_15 : i32
    "tpu.region"() ({
      %run_scoped3A_82 = tpu.sem_alloc : memref<!tpu.dma_semaphore, #tpu.memory_space<semaphore_mem>>
      %dma_start3A_83 = arith.constant 0 : i32
      %dma_start3A_84 = tpu.memref_slice %arg8[%add3A_16, %dma_start3A_83] : memref<10240x128xf32, #tpu.memory_space<vmem_shared>> -> memref<128x128xf32, #tpu.memory_space<vmem_shared>>
      %dma_start3A_85 = arith.constant 0 : i32
      %dma_start3A_86 = tpu.memref_slice %arg8[%add3A_16, %dma_start3A_85] : memref<10240x128xf32, #tpu.memory_space<vmem_shared>> -> memref<128x128xf32, #tpu.memory_space<vmem_shared>>
      tpu.enqueue_dma source(%arg9 : memref<128x128xf32, #tpu.memory_space<vmem>>) target(%dma_start3A_86 : memref<128x128xf32, #tpu.memory_space<vmem_shared>>) target_semaphore(%run_scoped3A_82 : memref<!tpu.dma_semaphore, #tpu.memory_space<semaphore_mem>>)
      %dma_wait3A_87 = arith.constant 0 : i32
      %dma_wait3A_88 = tpu.memref_slice %arg8[%add3A_16, %dma_wait3A_87] : memref<10240x128xf32, #tpu.memory_space<vmem_shared>> -> memref<128x128xf32, #tpu.memory_space<vmem_shared>>
      %dma_wait3A_89 = arith.constant 0 : i32
      %dma_wait3A_90 = tpu.memref_slice %arg8[%add3A_16, %dma_wait3A_89] : memref<10240x128xf32, #tpu.memory_space<vmem_shared>> -> memref<128x128xf32, #tpu.memory_space<vmem_shared>>
      tpu.wait_dma2 semaphore(%run_scoped3A_82 : memref<!tpu.dma_semaphore, #tpu.memory_space<semaphore_mem>>) src(%arg9 : memref<128x128xf32, #tpu.memory_space<vmem>>) dst(%dma_wait3A_90 : memref<128x128xf32, #tpu.memory_space<vmem_shared>>)
      tpu.yield
    }) : () -> ()
    %mul3A_17 = arith.constant 640 : i32
    %mul3A_18 = arith.muli %arg1, %mul3A_17 : i32
    %add3A_19 = arith.constant 128 : i32
    %add3A_20 = arith.addi %mul3A_18, %add3A_19 : i32
    "tpu.region"() ({
      %run_scoped3A_82 = tpu.sem_alloc : memref<!tpu.dma_semaphore, #tpu.memory_space<semaphore_mem>>
      %dma_start3A_83 = arith.constant 0 : i32
      %dma_start3A_84 = tpu.memref_slice %arg8[%add3A_20, %dma_start3A_83] : memref<10240x128xf32, #tpu.memory_space<vmem_shared>> -> memref<128x128xf32, #tpu.memory_space<vmem_shared>>
      %dma_start3A_85 = arith.constant 0 : i32
      %dma_start3A_86 = tpu.memref_slice %arg8[%add3A_20, %dma_start3A_85] : memref<10240x128xf32, #tpu.memory_space<vmem_shared>> -> memref<128x128xf32, #tpu.memory_space<vmem_shared>>
      tpu.enqueue_dma source(%arg9 : memref<128x128xf32, #tpu.memory_space<vmem>>) target(%dma_start3A_86 : memref<128x128xf32, #tpu.memory_space<vmem_shared>>) target_semaphore(%run_scoped3A_82 : memref<!tpu.dma_semaphore, #tpu.memory_space<semaphore_mem>>)
      %dma_wait3A_87 = arith.constant 0 : i32
      %dma_wait3A_88 = tpu.memref_slice %arg8[%add3A_20, %dma_wait3A_87] : memref<10240x128xf32, #tpu.memory_space<vmem_shared>> -> memref<128x128xf32, #tpu.memory_space<vmem_shared>>
      %dma_wait3A_89 = arith.constant 0 : i32
      %dma_wait3A_90 = tpu.memref_slice %arg8[%add3A_20, %dma_wait3A_89] : memref<10240x128xf32, #tpu.memory_space<vmem_shared>> -> memref<128x128xf32, #tpu.memory_space<vmem_shared>>
      tpu.wait_dma2 semaphore(%run_scoped3A_82 : memref<!tpu.dma_semaphore, #tpu.memory_space<semaphore_mem>>) src(%arg9 : memref<128x128xf32, #tpu.memory_space<vmem>>) dst(%dma_wait3A_90 : memref<128x128xf32, #tpu.memory_space<vmem_shared>>)
      tpu.yield
    }) : () -> ()
    %mul3A_21 = arith.constant 640 : i32
    %mul3A_22 = arith.muli %arg1, %mul3A_21 : i32
    %add3A_23 = arith.constant 256 : i32
    %add3A_24 = arith.addi %mul3A_22, %add3A_23 : i32
    "tpu.region"() ({
      %run_scoped3A_82 = tpu.sem_alloc : memref<!tpu.dma_semaphore, #tpu.memory_space<semaphore_mem>>
      %dma_start3A_83 = arith.constant 0 : i32
      %dma_start3A_84 = tpu.memref_slice %arg8[%add3A_24, %dma_start3A_83] : memref<10240x128xf32, #tpu.memory_space<vmem_shared>> -> memref<128x128xf32, #tpu.memory_space<vmem_shared>>
      %dma_start3A_85 = arith.constant 0 : i32
      %dma_start3A_86 = tpu.memref_slice %arg8[%add3A_24, %dma_start3A_85] : memref<10240x128xf32, #tpu.memory_space<vmem_shared>> -> memref<128x128xf32, #tpu.memory_space<vmem_shared>>
      tpu.enqueue_dma source(%arg9 : memref<128x128xf32, #tpu.memory_space<vmem>>) target(%dma_start3A_86 : memref<128x128xf32, #tpu.memory_space<vmem_shared>>) target_semaphore(%run_scoped3A_82 : memref<!tpu.dma_semaphore, #tpu.memory_space<semaphore_mem>>)
      %dma_wait3A_87 = arith.constant 0 : i32
      %dma_wait3A_88 = tpu.memref_slice %arg8[%add3A_24, %dma_wait3A_87] : memref<10240x128xf32, #tpu.memory_space<vmem_shared>> -> memref<128x128xf32, #tpu.memory_space<vmem_shared>>
      %dma_wait3A_89 = arith.constant 0 : i32
      %dma_wait3A_90 = tpu.memref_slice %arg8[%add3A_24, %dma_wait3A_89] : memref<10240x128xf32, #tpu.memory_space<vmem_shared>> -> memref<128x128xf32, #tpu.memory_space<vmem_shared>>
      tpu.wait_dma2 semaphore(%run_scoped3A_82 : memref<!tpu.dma_semaphore, #tpu.memory_space<semaphore_mem>>) src(%arg9 : memref<128x128xf32, #tpu.memory_space<vmem>>) dst(%dma_wait3A_90 : memref<128x128xf32, #tpu.memory_space<vmem_shared>>)
      tpu.yield
    }) : () -> ()
    %mul3A_25 = arith.constant 640 : i32
    %mul3A_26 = arith.muli %arg1, %mul3A_25 : i32
    %add3A_27 = arith.constant 384 : i32
    %add3A_28 = arith.addi %mul3A_26, %add3A_27 : i32
    "tpu.region"() ({
      %run_scoped3A_82 = tpu.sem_alloc : memref<!tpu.dma_semaphore, #tpu.memory_space<semaphore_mem>>
      %dma_start3A_83 = arith.constant 0 : i32
      %dma_start3A_84 = tpu.memref_slice %arg8[%add3A_28, %dma_start3A_83] : memref<10240x128xf32, #tpu.memory_space<vmem_shared>> -> memref<128x128xf32, #tpu.memory_space<vmem_shared>>
      %dma_start3A_85 = arith.constant 0 : i32
      %dma_start3A_86 = tpu.memref_slice %arg8[%add3A_28, %dma_start3A_85] : memref<10240x128xf32, #tpu.memory_space<vmem_shared>> -> memref<128x128xf32, #tpu.memory_space<vmem_shared>>
      tpu.enqueue_dma source(%arg9 : memref<128x128xf32, #tpu.memory_space<vmem>>) target(%dma_start3A_86 : memref<128x128xf32, #tpu.memory_space<vmem_shared>>) target_semaphore(%run_scoped3A_82 : memref<!tpu.dma_semaphore, #tpu.memory_space<semaphore_mem>>)
      %dma_wait3A_87 = arith.constant 0 : i32
      %dma_wait3A_88 = tpu.memref_slice %arg8[%add3A_28, %dma_wait3A_87] : memref<10240x128xf32, #tpu.memory_space<vmem_shared>> -> memref<128x128xf32, #tpu.memory_space<vmem_shared>>
      %dma_wait3A_89 = arith.constant 0 : i32
      %dma_wait3A_90 = tpu.memref_slice %arg8[%add3A_28, %dma_wait3A_89] : memref<10240x128xf32, #tpu.memory_space<vmem_shared>> -> memref<128x128xf32, #tpu.memory_space<vmem_shared>>
      tpu.wait_dma2 semaphore(%run_scoped3A_82 : memref<!tpu.dma_semaphore, #tpu.memory_space<semaphore_mem>>) src(%arg9 : memref<128x128xf32, #tpu.memory_space<vmem>>) dst(%dma_wait3A_90 : memref<128x128xf32, #tpu.memory_space<vmem_shared>>)
      tpu.yield
    }) : () -> ()
    %mul3A_29 = arith.constant 640 : i32
    %mul3A_30 = arith.muli %arg1, %mul3A_29 : i32
    %add3A_31 = arith.constant 512 : i32
    %add3A_32 = arith.addi %mul3A_30, %add3A_31 : i32
    "tpu.region"() ({
      %run_scoped3A_82 = tpu.sem_alloc : memref<!tpu.dma_semaphore, #tpu.memory_space<semaphore_mem>>
      %dma_start3A_83 = arith.constant 0 : i32
      %dma_start3A_84 = tpu.memref_slice %arg8[%add3A_32, %dma_start3A_83] : memref<10240x128xf32, #tpu.memory_space<vmem_shared>> -> memref<128x128xf32, #tpu.memory_space<vmem_shared>>
      %dma_start3A_85 = arith.constant 0 : i32
      %dma_start3A_86 = tpu.memref_slice %arg8[%add3A_32, %dma_start3A_85] : memref<10240x128xf32, #tpu.memory_space<vmem_shared>> -> memref<128x128xf32, #tpu.memory_space<vmem_shared>>
      tpu.enqueue_dma source(%arg9 : memref<128x128xf32, #tpu.memory_space<vmem>>) target(%dma_start3A_86 : memref<128x128xf32, #tpu.memory_space<vmem_shared>>) target_semaphore(%run_scoped3A_82 : memref<!tpu.dma_semaphore, #tpu.memory_space<semaphore_mem>>)
      %dma_wait3A_87 = arith.constant 0 : i32
      %dma_wait3A_88 = tpu.memref_slice %arg8[%add3A_32, %dma_wait3A_87] : memref<10240x128xf32, #tpu.memory_space<vmem_shared>> -> memref<128x128xf32, #tpu.memory_space<vmem_shared>>
      %dma_wait3A_89 = arith.constant 0 : i32
      %dma_wait3A_90 = tpu.memref_slice %arg8[%add3A_32, %dma_wait3A_89] : memref<10240x128xf32, #tpu.memory_space<vmem_shared>> -> memref<128x128xf32, #tpu.memory_space<vmem_shared>>
      tpu.wait_dma2 semaphore(%run_scoped3A_82 : memref<!tpu.dma_semaphore, #tpu.memory_space<semaphore_mem>>) src(%arg9 : memref<128x128xf32, #tpu.memory_space<vmem>>) dst(%dma_wait3A_90 : memref<128x128xf32, #tpu.memory_space<vmem_shared>>)
      tpu.yield
    }) : () -> ()
    "tpu.region"() ({
      %run_scoped3A_82 = tpu.sem_alloc : memref<!tpu.dma_semaphore, #tpu.memory_space<semaphore_mem>>
      %dma_start3A_83 = arith.constant 0 : i32
      %dma_start3A_84 = arith.constant 0 : i32
      %dma_start3A_85 = tpu.memref_slice %arg3[%add3A, %dma_start3A_83, %dma_start3A_84] : memref<32x78x128xi32, #tpu.memory_space<hbm>> -> memref<1x78x128xi32, #tpu.memory_space<hbm>>
      %dma_start3A_86 = tpu.memref_squeeze %dma_start3A_85 : memref<1x78x128xi32, #tpu.memory_space<hbm>> -> memref<78x128xi32, #tpu.memory_space<hbm>>
      %dma_start3A_87 = arith.constant 0 : i32
      %dma_start3A_88 = arith.constant 0 : i32
      %dma_start3A_89 = tpu.memref_slice %arg3[%add3A, %dma_start3A_87, %dma_start3A_88] : memref<32x78x128xi32, #tpu.memory_space<hbm>> -> memref<1x78x128xi32, #tpu.memory_space<hbm>>
      %dma_start3A_90 = tpu.memref_squeeze %dma_start3A_89 : memref<1x78x128xi32, #tpu.memory_space<hbm>> -> memref<78x128xi32, #tpu.memory_space<hbm>>
      tpu.enqueue_dma source(%dma_start3A_90 : memref<78x128xi32, #tpu.memory_space<hbm>>) target(%arg6 : memref<78x128xi32, #tpu.memory_space<vmem>>) target_semaphore(%run_scoped3A_82 : memref<!tpu.dma_semaphore, #tpu.memory_space<semaphore_mem>>)
      %dma_wait3A_91 = arith.constant 0 : i32
      %dma_wait3A_92 = arith.constant 0 : i32
      %dma_wait3A_93 = tpu.memref_slice %arg3[%add3A, %dma_wait3A_91, %dma_wait3A_92] : memref<32x78x128xi32, #tpu.memory_space<hbm>> -> memref<1x78x128xi32, #tpu.memory_space<hbm>>
      %dma_wait3A_94 = tpu.memref_squeeze %dma_wait3A_93 : memref<1x78x128xi32, #tpu.memory_space<hbm>> -> memref<78x128xi32, #tpu.memory_space<hbm>>
      %dma_wait3A_95 = arith.constant 0 : i32
      %dma_wait3A_96 = arith.constant 0 : i32
      %dma_wait3A_97 = tpu.memref_slice %arg3[%add3A, %dma_wait3A_95, %dma_wait3A_96] : memref<32x78x128xi32, #tpu.memory_space<hbm>> -> memref<1x78x128xi32, #tpu.memory_space<hbm>>
      %dma_wait3A_98 = tpu.memref_squeeze %dma_wait3A_97 : memref<1x78x128xi32, #tpu.memory_space<hbm>> -> memref<78x128xi32, #tpu.memory_space<hbm>>
      tpu.wait_dma2 semaphore(%run_scoped3A_82 : memref<!tpu.dma_semaphore, #tpu.memory_space<semaphore_mem>>) src(%dma_wait3A_98 : memref<78x128xi32, #tpu.memory_space<hbm>>) dst(%arg6 : memref<78x128xi32, #tpu.memory_space<vmem>>)
      tpu.yield
    }) : () -> ()
    "tpu.region"() ({
      %run_scoped3A_82 = tpu.sem_alloc : memref<!tpu.dma_semaphore, #tpu.memory_space<semaphore_mem>>
      %dma_start3A_83 = arith.constant 0 : i32
      %dma_start3A_84 = arith.constant 0 : i32
      %dma_start3A_85 = tpu.memref_slice %arg4[%add3A, %dma_start3A_83, %dma_start3A_84] : memref<32x1x16xi32, #tpu.memory_space<hbm>> -> memref<1x1x16xi32, #tpu.memory_space<hbm>>
      %dma_start3A_86 = tpu.memref_squeeze %dma_start3A_85 : memref<1x1x16xi32, #tpu.memory_space<hbm>> -> memref<1x16xi32, #tpu.memory_space<hbm>>
      %dma_start3A_87 = arith.constant 0 : i32
      %dma_start3A_88 = arith.constant 0 : i32
      %dma_start3A_89 = tpu.memref_slice %arg4[%add3A, %dma_start3A_87, %dma_start3A_88] : memref<32x1x16xi32, #tpu.memory_space<hbm>> -> memref<1x1x16xi32, #tpu.memory_space<hbm>>
      %dma_start3A_90 = tpu.memref_squeeze %dma_start3A_89 : memref<1x1x16xi32, #tpu.memory_space<hbm>> -> memref<1x16xi32, #tpu.memory_space<hbm>>
      tpu.enqueue_dma source(%dma_start3A_90 : memref<1x16xi32, #tpu.memory_space<hbm>>) target(%arg7 : memref<1x16xi32, #tpu.memory_space<vmem>>) target_semaphore(%run_scoped3A_82 : memref<!tpu.dma_semaphore, #tpu.memory_space<semaphore_mem>>)
      %dma_wait3A_91 = arith.constant 0 : i32
      %dma_wait3A_92 = arith.constant 0 : i32
      %dma_wait3A_93 = tpu.memref_slice %arg4[%add3A, %dma_wait3A_91, %dma_wait3A_92] : memref<32x1x16xi32, #tpu.memory_space<hbm>> -> memref<1x1x16xi32, #tpu.memory_space<hbm>>
      %dma_wait3A_94 = tpu.memref_squeeze %dma_wait3A_93 : memref<1x1x16xi32, #tpu.memory_space<hbm>> -> memref<1x16xi32, #tpu.memory_space<hbm>>
      %dma_wait3A_95 = arith.constant 0 : i32
      %dma_wait3A_96 = arith.constant 0 : i32
      %dma_wait3A_97 = tpu.memref_slice %arg4[%add3A, %dma_wait3A_95, %dma_wait3A_96] : memref<32x1x16xi32, #tpu.memory_space<hbm>> -> memref<1x1x16xi32, #tpu.memory_space<hbm>>
      %dma_wait3A_98 = tpu.memref_squeeze %dma_wait3A_97 : memref<1x1x16xi32, #tpu.memory_space<hbm>> -> memref<1x16xi32, #tpu.memory_space<hbm>>
      tpu.wait_dma2 semaphore(%run_scoped3A_82 : memref<!tpu.dma_semaphore, #tpu.memory_space<semaphore_mem>>) src(%dma_wait3A_98 : memref<1x16xi32, #tpu.memory_space<hbm>>) dst(%arg7 : memref<1x16xi32, #tpu.memory_space<vmem>>)
      tpu.yield
    }) : () -> ()
    %barrier3A = arith.constant 0 : index
    tpu.barrier barrier_id(%barrier3A)
    %scan3A_33 = arith.constant 0 : i32
    %scan3A_34 = arith.constant 0 : i32
    %scan3A_35 = arith.constant 38 : i32
    %scan3A_36 = arith.addi %scan3A_34, %scan3A_35 : i32
    %scan3A_37 = arith.constant 1 : i32
    %scan3A_38 = scf.for %scan3A_82 = %scan3A_34 to %scan3A_36 step %scan3A_37 iter_args(%scan3A_83 = %scan3A_33) -> (i32)  : i32 {
      %mul3A_84 = arith.constant 2 : i32
      %mul3A_85 = arith.muli %mul3A_84, %scan3A_82 : i32
      %add3A_86 = arith.constant 1 : i32
      %add3A_87 = arith.addi %mul3A_85, %add3A_86 : i32
      %mul3A_88 = arith.constant 128 : i32
      %mul3A_89 = arith.muli %add3A_87, %mul3A_88 : i32
      %add3A_90 = arith.addi %mul3A_2, %mul3A_89 : i32
      %dma_start3A_91 = arith.constant 0 : i32
      %dma_start3A_92 = tpu.memref_slice %arg2[%add3A_90, %dma_start3A_91] : memref<320000x128xf32, #tpu.memory_space<hbm>> -> memref<128x128xf32, #tpu.memory_space<hbm>>
      %dma_start3A_93 = arith.constant 0 : i32
      %dma_start3A_94 = tpu.memref_slice %arg2[%add3A_90, %dma_start3A_93] : memref<320000x128xf32, #tpu.memory_space<hbm>> -> memref<128x128xf32, #tpu.memory_space<hbm>>
      tpu.enqueue_dma source(%dma_start3A_94 : memref<128x128xf32, #tpu.memory_space<hbm>>) target(%arg9 : memref<128x128xf32, #tpu.memory_space<vmem>>) target_semaphore(%arg11 : memref<!tpu.dma_semaphore, #tpu.memory_space<semaphore_mem>>)
      %dma_wait3A_95 = arith.constant 0 : i32
      %dma_wait3A_96 = tpu.memref_slice %arg2[%mul3A_2, %dma_wait3A_95] : memref<320000x128xf32, #tpu.memory_space<hbm>> -> memref<128x128xf32, #tpu.memory_space<hbm>>
      %dma_wait3A_97 = arith.constant 0 : i32
      %dma_wait3A_98 = tpu.memref_slice %arg2[%mul3A_2, %dma_wait3A_97] : memref<320000x128xf32, #tpu.memory_space<hbm>> -> memref<128x128xf32, #tpu.memory_space<hbm>>
      tpu.wait_dma2 semaphore(%arg12 : memref<!tpu.dma_semaphore, #tpu.memory_space<semaphore_mem>>) src(%dma_wait3A_98 : memref<128x128xf32, #tpu.memory_space<hbm>>) dst(%arg10 : memref<128x128xf32, #tpu.memory_space<vmem>>)
      "tpu.region"() ({
        %run_scoped3A_115 = tpu.sem_alloc : memref<!tpu.dma_semaphore, #tpu.memory_space<semaphore_mem>>
        %dma_start3A_116 = arith.constant 0 : i32
        %dma_start3A_117 = tpu.memref_slice %arg6[%mul3A_85, %dma_start3A_116] : memref<78x128xi32, #tpu.memory_space<vmem>> -> memref<1x128xi32, #tpu.memory_space<vmem>>
        %dma_start3A_118 = tpu.memref_squeeze %dma_start3A_117 : memref<1x128xi32, #tpu.memory_space<vmem>> -> memref<128xi32, #tpu.memory_space<vmem>>
        %dma_start3A_119 = arith.constant 0 : i32
        %dma_start3A_120 = arith.constant 0 : i32
        %dma_start3A_121 = tpu.memref_slice %arg8[%dma_start3A_119, %dma_start3A_120] : memref<10240x128xf32, #tpu.memory_space<vmem_shared>> -> memref<10240x128xf32, #tpu.memory_space<vmem_shared>>
        tpu.enqueue_indirect_dma source(%arg10 : memref<128x128xf32, #tpu.memory_space<vmem>>) target(%dma_start3A_121 : memref<10240x128xf32, #tpu.memory_space<vmem_shared>>) offsets(%dma_start3A_118 : memref<128xi32, #tpu.memory_space<vmem>>) semaphore(%run_scoped3A_115 : memref<!tpu.dma_semaphore, #tpu.memory_space<semaphore_mem>>) {add = true}
        %dma_wait3A_122 = arith.constant 0 : i32
        %dma_wait3A_123 = tpu.memref_slice %arg6[%mul3A_85, %dma_wait3A_122] : memref<78x128xi32, #tpu.memory_space<vmem>> -> memref<1x128xi32, #tpu.memory_space<vmem>>
        %dma_wait3A_124 = tpu.memref_squeeze %dma_wait3A_123 : memref<1x128xi32, #tpu.memory_space<vmem>> -> memref<128xi32, #tpu.memory_space<vmem>>
        %dma_wait3A_125 = arith.constant 0 : i32
        %dma_wait3A_126 = arith.constant 0 : i32
        %dma_wait3A_127 = tpu.memref_slice %arg8[%dma_wait3A_125, %dma_wait3A_126] : memref<10240x128xf32, #tpu.memory_space<vmem_shared>> -> memref<10240x128xf32, #tpu.memory_space<vmem_shared>>
        tpu.wait_indirect_dma semaphore(%run_scoped3A_115 : memref<!tpu.dma_semaphore, #tpu.memory_space<semaphore_mem>>) src(%arg10 : memref<128x128xf32, #tpu.memory_space<vmem>>) dst(%dma_wait3A_127 : memref<10240x128xf32, #tpu.memory_space<vmem_shared>>)
        tpu.yield
      }) : () -> ()
      %add3A_99 = arith.constant 2 : i32
      %add3A_100 = arith.addi %mul3A_85, %add3A_99 : i32
      %mul3A_101 = arith.constant 128 : i32
      %mul3A_102 = arith.muli %add3A_100, %mul3A_101 : i32
      %add3A_103 = arith.addi %mul3A_2, %mul3A_102 : i32
      %dma_start3A_104 = arith.constant 0 : i32
      %dma_start3A_105 = tpu.memref_slice %arg2[%add3A_103, %dma_start3A_104] : memref<320000x128xf32, #tpu.memory_space<hbm>> -> memref<128x128xf32, #tpu.memory_space<hbm>>
      %dma_start3A_106 = arith.constant 0 : i32
      %dma_start3A_107 = tpu.memref_slice %arg2[%add3A_103, %dma_start3A_106] : memref<320000x128xf32, #tpu.memory_space<hbm>> -> memref<128x128xf32, #tpu.memory_space<hbm>>
      tpu.enqueue_dma source(%dma_start3A_107 : memref<128x128xf32, #tpu.memory_space<hbm>>) target(%arg10 : memref<128x128xf32, #tpu.memory_space<vmem>>) target_semaphore(%arg12 : memref<!tpu.dma_semaphore, #tpu.memory_space<semaphore_mem>>)
      %dma_wait3A_108 = arith.constant 0 : i32
      %dma_wait3A_109 = tpu.memref_slice %arg2[%mul3A_2, %dma_wait3A_108] : memref<320000x128xf32, #tpu.memory_space<hbm>> -> memref<128x128xf32, #tpu.memory_space<hbm>>
      %dma_wait3A_110 = arith.constant 0 : i32
      %dma_wait3A_111 = tpu.memref_slice %arg2[%mul3A_2, %dma_wait3A_110] : memref<320000x128xf32, #tpu.memory_space<hbm>> -> memref<128x128xf32, #tpu.memory_space<hbm>>
      tpu.wait_dma2 semaphore(%arg11 : memref<!tpu.dma_semaphore, #tpu.memory_space<semaphore_mem>>) src(%dma_wait3A_111 : memref<128x128xf32, #tpu.memory_space<hbm>>) dst(%arg9 : memref<128x128xf32, #tpu.memory_space<vmem>>)
      %add3A_112 = arith.constant 1 : i32
      %add3A_113 = arith.addi %mul3A_85, %add3A_112 : i32
      "tpu.region"() ({
        %run_scoped3A_115 = tpu.sem_alloc : memref<!tpu.dma_semaphore, #tpu.memory_space<semaphore_mem>>
        %dma_start3A_116 = arith.constant 0 : i32
        %dma_start3A_117 = tpu.memref_slice %arg6[%add3A_113, %dma_start3A_116] : memref<78x128xi32, #tpu.memory_space<vmem>> -> memref<1x128xi32, #tpu.memory_space<vmem>>
        %dma_start3A_118 = tpu.memref_squeeze %dma_start3A_117 : memref<1x128xi32, #tpu.memory_space<vmem>> -> memref<128xi32, #tpu.memory_space<vmem>>
        %dma_start3A_119 = arith.constant 0 : i32
        %dma_start3A_120 = arith.constant 0 : i32
        %dma_start3A_121 = tpu.memref_slice %arg8[%dma_start3A_119, %dma_start3A_120] : memref<10240x128xf32, #tpu.memory_space<vmem_shared>> -> memref<10240x128xf32, #tpu.memory_space<vmem_shared>>
        tpu.enqueue_indirect_dma source(%arg9 : memref<128x128xf32, #tpu.memory_space<vmem>>) target(%dma_start3A_121 : memref<10240x128xf32, #tpu.memory_space<vmem_shared>>) offsets(%dma_start3A_118 : memref<128xi32, #tpu.memory_space<vmem>>) semaphore(%run_scoped3A_115 : memref<!tpu.dma_semaphore, #tpu.memory_space<semaphore_mem>>) {add = true}
        %dma_wait3A_122 = arith.constant 0 : i32
        %dma_wait3A_123 = tpu.memref_slice %arg6[%add3A_113, %dma_wait3A_122] : memref<78x128xi32, #tpu.memory_space<vmem>> -> memref<1x128xi32, #tpu.memory_space<vmem>>
        %dma_wait3A_124 = tpu.memref_squeeze %dma_wait3A_123 : memref<1x128xi32, #tpu.memory_space<vmem>> -> memref<128xi32, #tpu.memory_space<vmem>>
        %dma_wait3A_125 = arith.constant 0 : i32
        %dma_wait3A_126 = arith.constant 0 : i32
        %dma_wait3A_127 = tpu.memref_slice %arg8[%dma_wait3A_125, %dma_wait3A_126] : memref<10240x128xf32, #tpu.memory_space<vmem_shared>> -> memref<10240x128xf32, #tpu.memory_space<vmem_shared>>
        tpu.wait_indirect_dma semaphore(%run_scoped3A_115 : memref<!tpu.dma_semaphore, #tpu.memory_space<semaphore_mem>>) src(%arg9 : memref<128x128xf32, #tpu.memory_space<vmem>>) dst(%dma_wait3A_127 : memref<10240x128xf32, #tpu.memory_space<vmem_shared>>)
        tpu.yield
      }) : () -> ()
      %scan3A_114 = arith.constant 0 : i32
      scf.yield %scan3A_114 : i32
    }
    %scan3A_39 = arith.constant 38 : i32
    %add3A_40 = arith.constant 9856 : i32
    %add3A_41 = arith.addi %mul3A_2, %add3A_40 : i32
    %dma_start3A_42 = arith.constant 0 : i32
    %dma_start3A_43 = tpu.memref_slice %arg2[%add3A_41, %dma_start3A_42] : memref<320000x128xf32, #tpu.memory_space<hbm>> -> memref<128x128xf32, #tpu.memory_space<hbm>>
    %dma_start3A_44 = arith.constant 0 : i32
    %dma_start3A_45 = tpu.memref_slice %arg2[%add3A_41, %dma_start3A_44] : memref<320000x128xf32, #tpu.memory_space<hbm>> -> memref<128x128xf32, #tpu.memory_space<hbm>>
    tpu.enqueue_dma source(%dma_start3A_45 : memref<128x128xf32, #tpu.memory_space<hbm>>) target(%arg9 : memref<128x128xf32, #tpu.memory_space<vmem>>) target_semaphore(%arg11 : memref<!tpu.dma_semaphore, #tpu.memory_space<semaphore_mem>>)
    %dma_wait3A = arith.constant 0 : i32
    %dma_wait3A_46 = tpu.memref_slice %arg2[%mul3A_2, %dma_wait3A] : memref<320000x128xf32, #tpu.memory_space<hbm>> -> memref<128x128xf32, #tpu.memory_space<hbm>>
    %dma_wait3A_47 = arith.constant 0 : i32
    %dma_wait3A_48 = tpu.memref_slice %arg2[%mul3A_2, %dma_wait3A_47] : memref<320000x128xf32, #tpu.memory_space<hbm>> -> memref<128x128xf32, #tpu.memory_space<hbm>>
    tpu.wait_dma2 semaphore(%arg12 : memref<!tpu.dma_semaphore, #tpu.memory_space<semaphore_mem>>) src(%dma_wait3A_48 : memref<128x128xf32, #tpu.memory_space<hbm>>) dst(%arg10 : memref<128x128xf32, #tpu.memory_space<vmem>>)
    %run_scoped3A = arith.constant 76 : i32
    "tpu.region"() ({
      %run_scoped3A_82 = tpu.sem_alloc : memref<!tpu.dma_semaphore, #tpu.memory_space<semaphore_mem>>
      %dma_start3A_83 = arith.constant 0 : i32
      %dma_start3A_84 = tpu.memref_slice %arg6[%run_scoped3A, %dma_start3A_83] : memref<78x128xi32, #tpu.memory_space<vmem>> -> memref<1x128xi32, #tpu.memory_space<vmem>>
      %dma_start3A_85 = tpu.memref_squeeze %dma_start3A_84 : memref<1x128xi32, #tpu.memory_space<vmem>> -> memref<128xi32, #tpu.memory_space<vmem>>
      %dma_start3A_86 = arith.constant 0 : i32
      %dma_start3A_87 = arith.constant 0 : i32
      %dma_start3A_88 = tpu.memref_slice %arg8[%dma_start3A_86, %dma_start3A_87] : memref<10240x128xf32, #tpu.memory_space<vmem_shared>> -> memref<10240x128xf32, #tpu.memory_space<vmem_shared>>
      tpu.enqueue_indirect_dma source(%arg10 : memref<128x128xf32, #tpu.memory_space<vmem>>) target(%dma_start3A_88 : memref<10240x128xf32, #tpu.memory_space<vmem_shared>>) offsets(%dma_start3A_85 : memref<128xi32, #tpu.memory_space<vmem>>) semaphore(%run_scoped3A_82 : memref<!tpu.dma_semaphore, #tpu.memory_space<semaphore_mem>>) {add = true}
      %dma_wait3A_89 = arith.constant 0 : i32
      %dma_wait3A_90 = tpu.memref_slice %arg6[%run_scoped3A, %dma_wait3A_89] : memref<78x128xi32, #tpu.memory_space<vmem>> -> memref<1x128xi32, #tpu.memory_space<vmem>>
      %dma_wait3A_91 = tpu.memref_squeeze %dma_wait3A_90 : memref<1x128xi32, #tpu.memory_space<vmem>> -> memref<128xi32, #tpu.memory_space<vmem>>
      %dma_wait3A_92 = arith.constant 0 : i32
      %dma_wait3A_93 = arith.constant 0 : i32
      %dma_wait3A_94 = tpu.memref_slice %arg8[%dma_wait3A_92, %dma_wait3A_93] : memref<10240x128xf32, #tpu.memory_space<vmem_shared>> -> memref<10240x128xf32, #tpu.memory_space<vmem_shared>>
      tpu.wait_indirect_dma semaphore(%run_scoped3A_82 : memref<!tpu.dma_semaphore, #tpu.memory_space<semaphore_mem>>) src(%arg10 : memref<128x128xf32, #tpu.memory_space<vmem>>) dst(%dma_wait3A_94 : memref<10240x128xf32, #tpu.memory_space<vmem_shared>>)
      tpu.yield
    }) : () -> ()
    %add3A_49 = arith.constant 9984 : i32
    %add3A_50 = arith.addi %mul3A_2, %add3A_49 : i32
    %dma_start3A_51 = arith.constant 0 : i32
    %dma_start3A_52 = arith.constant 0 : i32
    %dma_start3A_53 = tpu.memref_slice %arg10[%dma_start3A_51, %dma_start3A_52] : memref<128x128xf32, #tpu.memory_space<vmem>> -> memref<16x128xf32, #tpu.memory_space<vmem>>
    %dma_start3A_54 = arith.constant 0 : i32
    %dma_start3A_55 = tpu.memref_slice %arg2[%add3A_50, %dma_start3A_54] : memref<320000x128xf32, #tpu.memory_space<hbm>> -> memref<16x128xf32, #tpu.memory_space<hbm>>
    %dma_start3A_56 = arith.constant 0 : i32
    %dma_start3A_57 = arith.constant 0 : i32
    %dma_start3A_58 = tpu.memref_slice %arg10[%dma_start3A_56, %dma_start3A_57] : memref<128x128xf32, #tpu.memory_space<vmem>> -> memref<16x128xf32, #tpu.memory_space<vmem>>
    %dma_start3A_59 = arith.constant 0 : i32
    %dma_start3A_60 = tpu.memref_slice %arg2[%add3A_50, %dma_start3A_59] : memref<320000x128xf32, #tpu.memory_space<hbm>> -> memref<16x128xf32, #tpu.memory_space<hbm>>
    tpu.enqueue_dma source(%dma_start3A_60 : memref<16x128xf32, #tpu.memory_space<hbm>>) target(%dma_start3A_58 : memref<16x128xf32, #tpu.memory_space<vmem>>) target_semaphore(%arg12 : memref<!tpu.dma_semaphore, #tpu.memory_space<semaphore_mem>>)
    %dma_wait3A_61 = arith.constant 0 : i32
    %dma_wait3A_62 = tpu.memref_slice %arg2[%mul3A_2, %dma_wait3A_61] : memref<320000x128xf32, #tpu.memory_space<hbm>> -> memref<128x128xf32, #tpu.memory_space<hbm>>
    %dma_wait3A_63 = arith.constant 0 : i32
    %dma_wait3A_64 = tpu.memref_slice %arg2[%mul3A_2, %dma_wait3A_63] : memref<320000x128xf32, #tpu.memory_space<hbm>> -> memref<128x128xf32, #tpu.memory_space<hbm>>
    tpu.wait_dma2 semaphore(%arg11 : memref<!tpu.dma_semaphore, #tpu.memory_space<semaphore_mem>>) src(%dma_wait3A_64 : memref<128x128xf32, #tpu.memory_space<hbm>>) dst(%arg9 : memref<128x128xf32, #tpu.memory_space<vmem>>)
    %run_scoped3A_65 = arith.constant 77 : i32
    "tpu.region"() ({
      %run_scoped3A_82 = tpu.sem_alloc : memref<!tpu.dma_semaphore, #tpu.memory_space<semaphore_mem>>
      %dma_start3A_83 = arith.constant 0 : i32
      %dma_start3A_84 = tpu.memref_slice %arg6[%run_scoped3A_65, %dma_start3A_83] : memref<78x128xi32, #tpu.memory_space<vmem>> -> memref<1x128xi32, #tpu.memory_space<vmem>>
      %dma_start3A_85 = tpu.memref_squeeze %dma_start3A_84 : memref<1x128xi32, #tpu.memory_space<vmem>> -> memref<128xi32, #tpu.memory_space<vmem>>
      %dma_start3A_86 = arith.constant 0 : i32
      %dma_start3A_87 = arith.constant 0 : i32
      %dma_start3A_88 = tpu.memref_slice %arg8[%dma_start3A_86, %dma_start3A_87] : memref<10240x128xf32, #tpu.memory_space<vmem_shared>> -> memref<10240x128xf32, #tpu.memory_space<vmem_shared>>
      tpu.enqueue_indirect_dma source(%arg9 : memref<128x128xf32, #tpu.memory_space<vmem>>) target(%dma_start3A_88 : memref<10240x128xf32, #tpu.memory_space<vmem_shared>>) offsets(%dma_start3A_85 : memref<128xi32, #tpu.memory_space<vmem>>) semaphore(%run_scoped3A_82 : memref<!tpu.dma_semaphore, #tpu.memory_space<semaphore_mem>>) {add = true}
      %dma_wait3A_89 = arith.constant 0 : i32
      %dma_wait3A_90 = tpu.memref_slice %arg6[%run_scoped3A_65, %dma_wait3A_89] : memref<78x128xi32, #tpu.memory_space<vmem>> -> memref<1x128xi32, #tpu.memory_space<vmem>>
      %dma_wait3A_91 = tpu.memref_squeeze %dma_wait3A_90 : memref<1x128xi32, #tpu.memory_space<vmem>> -> memref<128xi32, #tpu.memory_space<vmem>>
      %dma_wait3A_92 = arith.constant 0 : i32
      %dma_wait3A_93 = arith.constant 0 : i32
      %dma_wait3A_94 = tpu.memref_slice %arg8[%dma_wait3A_92, %dma_wait3A_93] : memref<10240x128xf32, #tpu.memory_space<vmem_shared>> -> memref<10240x128xf32, #tpu.memory_space<vmem_shared>>
      tpu.wait_indirect_dma semaphore(%run_scoped3A_82 : memref<!tpu.dma_semaphore, #tpu.memory_space<semaphore_mem>>) src(%arg9 : memref<128x128xf32, #tpu.memory_space<vmem>>) dst(%dma_wait3A_94 : memref<10240x128xf32, #tpu.memory_space<vmem_shared>>)
      tpu.yield
    }) : () -> ()
    %dma_wait3A_66 = arith.constant 0 : i32
    %dma_wait3A_67 = arith.constant 0 : i32
    %dma_wait3A_68 = tpu.memref_slice %arg10[%dma_wait3A_66, %dma_wait3A_67] : memref<128x128xf32, #tpu.memory_space<vmem>> -> memref<16x128xf32, #tpu.memory_space<vmem>>
    %dma_wait3A_69 = arith.constant 0 : i32
    %dma_wait3A_70 = tpu.memref_slice %arg2[%mul3A_2, %dma_wait3A_69] : memref<320000x128xf32, #tpu.memory_space<hbm>> -> memref<16x128xf32, #tpu.memory_space<hbm>>
    %dma_wait3A_71 = arith.constant 0 : i32
    %dma_wait3A_72 = arith.constant 0 : i32
    %dma_wait3A_73 = tpu.memref_slice %arg10[%dma_wait3A_71, %dma_wait3A_72] : memref<128x128xf32, #tpu.memory_space<vmem>> -> memref<16x128xf32, #tpu.memory_space<vmem>>
    %dma_wait3A_74 = arith.constant 0 : i32
    %dma_wait3A_75 = tpu.memref_slice %arg2[%mul3A_2, %dma_wait3A_74] : memref<320000x128xf32, #tpu.memory_space<hbm>> -> memref<16x128xf32, #tpu.memory_space<hbm>>
    tpu.wait_dma2 semaphore(%arg12 : memref<!tpu.dma_semaphore, #tpu.memory_space<semaphore_mem>>) src(%dma_wait3A_75 : memref<16x128xf32, #tpu.memory_space<hbm>>) dst(%dma_wait3A_73 : memref<16x128xf32, #tpu.memory_space<vmem>>)
    %run_scoped3A_76 = arith.constant 0 : i32
    "tpu.region"() ({
      %run_scoped3A_82 = tpu.sem_alloc : memref<!tpu.dma_semaphore, #tpu.memory_space<semaphore_mem>>
      %dma_start3A_83 = arith.constant 0 : i32
      %dma_start3A_84 = arith.constant 0 : i32
      %dma_start3A_85 = tpu.memref_slice %arg10[%dma_start3A_83, %dma_start3A_84] : memref<128x128xf32, #tpu.memory_space<vmem>> -> memref<16x128xf32, #tpu.memory_space<vmem>>
      %dma_start3A_86 = arith.constant 0 : i32
      %dma_start3A_87 = tpu.memref_slice %arg7[%run_scoped3A_76, %dma_start3A_86] : memref<1x16xi32, #tpu.memory_space<vmem>> -> memref<1x16xi32, #tpu.memory_space<vmem>>
      %dma_start3A_88 = tpu.memref_squeeze %dma_start3A_87 : memref<1x16xi32, #tpu.memory_space<vmem>> -> memref<16xi32, #tpu.memory_space<vmem>>
      %dma_start3A_89 = arith.constant 0 : i32
      %dma_start3A_90 = arith.constant 0 : i32
      %dma_start3A_91 = tpu.memref_slice %arg8[%dma_start3A_89, %dma_start3A_90] : memref<10240x128xf32, #tpu.memory_space<vmem_shared>> -> memref<10240x128xf32, #tpu.memory_space<vmem_shared>>
      tpu.enqueue_indirect_dma source(%dma_start3A_85 : memref<16x128xf32, #tpu.memory_space<vmem>>) target(%dma_start3A_91 : memref<10240x128xf32, #tpu.memory_space<vmem_shared>>) offsets(%dma_start3A_88 : memref<16xi32, #tpu.memory_space<vmem>>) semaphore(%run_scoped3A_82 : memref<!tpu.dma_semaphore, #tpu.memory_space<semaphore_mem>>) {add = true}
      %dma_wait3A_92 = arith.constant 0 : i32
      %dma_wait3A_93 = arith.constant 0 : i32
      %dma_wait3A_94 = tpu.memref_slice %arg10[%dma_wait3A_92, %dma_wait3A_93] : memref<128x128xf32, #tpu.memory_space<vmem>> -> memref<16x128xf32, #tpu.memory_space<vmem>>
      %dma_wait3A_95 = arith.constant 0 : i32
      %dma_wait3A_96 = tpu.memref_slice %arg7[%run_scoped3A_76, %dma_wait3A_95] : memref<1x16xi32, #tpu.memory_space<vmem>> -> memref<1x16xi32, #tpu.memory_space<vmem>>
      %dma_wait3A_97 = tpu.memref_squeeze %dma_wait3A_96 : memref<1x16xi32, #tpu.memory_space<vmem>> -> memref<16xi32, #tpu.memory_space<vmem>>
      %dma_wait3A_98 = arith.constant 0 : i32
      %dma_wait3A_99 = arith.constant 0 : i32
      %dma_wait3A_100 = tpu.memref_slice %arg8[%dma_wait3A_98, %dma_wait3A_99] : memref<10240x128xf32, #tpu.memory_space<vmem_shared>> -> memref<10240x128xf32, #tpu.memory_space<vmem_shared>>
      tpu.wait_indirect_dma semaphore(%run_scoped3A_82 : memref<!tpu.dma_semaphore, #tpu.memory_space<semaphore_mem>>) src(%dma_wait3A_94 : memref<16x128xf32, #tpu.memory_space<vmem>>) dst(%dma_wait3A_100 : memref<10240x128xf32, #tpu.memory_space<vmem_shared>>)
      tpu.yield
    }) : () -> ()
    %barrier3A_77 = arith.constant 0 : index
    tpu.barrier barrier_id(%barrier3A_77)
    %mul3A_78 = arith.constant 640 : i32
    %mul3A_79 = arith.muli %arg1, %mul3A_78 : i32
    %mul3A_80 = arith.constant 640 : i32
    %mul3A_81 = arith.muli %arg1, %mul3A_80 : i32
    "tpu.region"() ({
      %run_scoped3A_82 = tpu.sem_alloc : memref<!tpu.dma_semaphore, #tpu.memory_space<semaphore_mem>>
      %dma_start3A_83 = arith.constant 0 : i32
      %dma_start3A_84 = tpu.memref_slice %arg5[%arg0, %mul3A_81, %dma_start3A_83] : memref<2x10240x128xf32, #tpu.memory_space<hbm>> -> memref<1x640x128xf32, #tpu.memory_space<hbm>>
      %dma_start3A_85 = tpu.memref_squeeze %dma_start3A_84 : memref<1x640x128xf32, #tpu.memory_space<hbm>> -> memref<640x128xf32, #tpu.memory_space<hbm>>
      %dma_start3A_86 = arith.constant 0 : i32
      %dma_start3A_87 = tpu.memref_slice %arg8[%mul3A_79, %dma_start3A_86] : memref<10240x128xf32, #tpu.memory_space<vmem_shared>> -> memref<640x128xf32, #tpu.memory_space<vmem_shared>>
      tpu.enqueue_dma source(%dma_start3A_87 : memref<640x128xf32, #tpu.memory_space<vmem_shared>>) target(%dma_start3A_85 : memref<640x128xf32, #tpu.memory_space<hbm>>) target_semaphore(%run_scoped3A_82 : memref<!tpu.dma_semaphore, #tpu.memory_space<semaphore_mem>>)
      %dma_wait3A_88 = arith.constant 0 : i32
      %dma_wait3A_89 = tpu.memref_slice %arg5[%arg0, %mul3A_81, %dma_wait3A_88] : memref<2x10240x128xf32, #tpu.memory_space<hbm>> -> memref<1x640x128xf32, #tpu.memory_space<hbm>>
      %dma_wait3A_90 = tpu.memref_squeeze %dma_wait3A_89 : memref<1x640x128xf32, #tpu.memory_space<hbm>> -> memref<640x128xf32, #tpu.memory_space<hbm>>
      %dma_wait3A_91 = arith.constant 0 : i32
      %dma_wait3A_92 = tpu.memref_slice %arg8[%mul3A_79, %dma_wait3A_91] : memref<10240x128xf32, #tpu.memory_space<vmem_shared>> -> memref<640x128xf32, #tpu.memory_space<vmem_shared>>
      tpu.wait_dma2 semaphore(%run_scoped3A_82 : memref<!tpu.dma_semaphore, #tpu.memory_space<semaphore_mem>>) src(%dma_wait3A_92 : memref<640x128xf32, #tpu.memory_space<vmem_shared>>) dst(%dma_wait3A_90 : memref<640x128xf32, #tpu.memory_space<hbm>>)
      tpu.yield
    }) : () -> ()
    return
  }
}

module attributes {stable_mosaic.version = 14 : i64} {
  func.func @_combine_body(%arg0: i32, %arg1: memref<1x1000x128xf32, #tpu.memory_space<vmem>>, %arg2: memref<1x1000x128xf32, #tpu.memory_space<vmem>>, %arg3: memref<1000x128xf32, #tpu.memory_space<vmem>>) attributes {dimension_semantics = [#tpu.dimension_semantics<arbitrary>], iteration_bounds = array<i64: 10>, scalar_prefetch = 0 : i64, scratch_operands = 0 : i64, tpu.core_type = #tpu.core_type<tc>, window_params = [{transform_indices = @transform_0, window_bounds = array<i64: 1, 1000, 128>}, {transform_indices = @transform_1, window_bounds = array<i64: 1, 1000, 128>}, {transform_indices = @transform_2, window_bounds = array<i64: 1000, 128>}]} {
    %get3A = arith.constant 0 : index
    %get3A_0 = arith.constant 0 : index
    %get3A_1 = arith.constant 0 : index
    %get3A_2 = vector.load %arg1[%get3A, %get3A_0, %get3A_1] : memref<1x1000x128xf32, #tpu.memory_space<vmem>>, vector<1x1000x128xf32>
    %get3A_3 = vector.shape_cast %get3A_2 : vector<1x1000x128xf32> to vector<1000x128xf32>
    %get3A_4 = arith.constant 0 : index
    %get3A_5 = arith.constant 0 : index
    %get3A_6 = arith.constant 0 : index
    %get3A_7 = vector.load %arg2[%get3A_4, %get3A_5, %get3A_6] : memref<1x1000x128xf32, #tpu.memory_space<vmem>>, vector<1x1000x128xf32>
    %get3A_8 = vector.shape_cast %get3A_7 : vector<1x1000x128xf32> to vector<1000x128xf32>
    %add3A = arith.addf %get3A_3, %get3A_8 : vector<1000x128xf32>
    %swap3A = arith.constant 0 : index
    %swap3A_9 = arith.constant 0 : index
    %swap3A_10 = vector.load %arg3[%swap3A, %swap3A_9] : memref<1000x128xf32, #tpu.memory_space<vmem>>, vector<1000x128xf32>
    tpu.vector_store %arg3[%swap3A, %swap3A_9], %add3A {strides = array<i32>} : memref<1000x128xf32, #tpu.memory_space<vmem>>, vector<1000x128xf32>,
    return
  }
  func.func @transform_0(%arg0: i32) -> (i32, i32, i32) {
    %c0_i32 = arith.constant 0 : i32
    %c0_i32_0 = arith.constant 0 : i32
    %c0_i32_1 = arith.constant 0 : i32
    return %c0_i32, %arg0, %c0_i32_0 : i32, i32, i32
  }
  func.func @transform_1(%arg0: i32) -> (i32, i32, i32) {
    %c1_i32 = arith.constant 1 : i32
    %c0_i32 = arith.constant 0 : i32
    %c0_i32_0 = arith.constant 0 : i32
    return %c1_i32, %arg0, %c0_i32 : i32, i32, i32
  }
  func.func @transform_2(%arg0: i32) -> (i32, i32) {
    %c0_i32 = arith.constant 0 : i32
    %c0_i32_0 = arith.constant 0 : i32
    return %arg0, %c0_i32 : i32, i32
  }
}

</mosaic_0001>

<sc_bundles>
// kernel: kernel.4.cloned.1.call-start
scs
__scs_entry_jumppad:
0x0: {  	(pc) =	sbr.rel $0x88, $3  }
0x1: {  	(tag) =	ssettag $0x0;
	lr =	simm.s32 $0x1  }
0x2: {  	[smem:$0x3F9F] =	sst lr;
	_ =	strace $0xD0000000  }
0x3: {  	_ = 	snop  }
0x4: {  	_ = 	snop  }
0x5: {  	_ = 	snop  }
0x6: {  	_ = 	snop  }
0x7: {  	_ = 	snop  }
__scs_overlays_trampoline_lowered:
0x8: {  	[smem:$0x3FAE] =	sst s0  }
0x9: {  	[smem:$0x3FAF] =	sst s1  }
0xa: {  	[smem:$0x3FB0] =	sst s2  }
0xb: {  	[smem:$0x3FB1] =	sst s3  }
0xc: {  	[smem:$0x3FB2] =	sst s4  }
0xd: {  	[smem:$0x3FB3] =	sst s5  }
0xe: {  	[smem:$0x3FB4] =	sst s6  }
0xf: {  	[smem:$0x3FB5] =	sst s7  }
0x10: {  	[smem:$0x3FB6] =	sst s8  }
0x11: {  	[smem:$0x3FB7] =	sst s9;
	s0 =	simm.s32 @!p0 $0x0  }
0x12: {  	s1 =	sld [smem:$0x3F9D];
	s0 =	simm.s32 @p0 $0x1  }
0x13: {  	[smem:$0x3FB8] =	sst s0;
	s0 =	simm.s32 @!p1 $0x0  }
0x14: {  	s2 =	sld [smem:$0x3F9C];
	s0 =	simm.s32 @p1 $0x1  }
0x15: {  	[smem:$0x3FB9] =	sst s0;
	s0 =	simm.s32 @!p2 $0x0  }
0x16: {  	s3 =	sld [smem:$0x3FDB];
	s0 =	simm.s32 @p2 $0x1  }
0x17: {  	s4 =	simm.s32 $0x1BF5;
	[smem:$0x3FBB] =	sst s0  }
0x18: {  	s0 =	sld [smem:$0x3F9E];
	_ =	swait.ge [sflag:s4], $0x0  }
0x19: {  	s7 =	sld [smem:$0x3F9F]  }
0x1a: {  	s8 =	sadd.s32 $0xFFFFE003, lr  }
0x1b: {  	s9 =	sadd.s32 $0xFFFFFEF7, lr;
	s5 =	simm.s32 $0xFFFFFFFF;
	p2 =	slt.u32 s8, $0xFFFFF086  }
0x1c: {  	p1 =	slt.u32 s9, $0xF7A;
	s5 =	simm.s32 @!p2 $0x0  }
0x1d: {  	s5 =	simm.s32 @p1 $0x1;
	p0 =	seq.s32 s7, s2  }
0x1e: {  	s7 =	smul.u32 @!p0 $0xF7A, s2;
	p2 =	seq.s32 @!p0 s5, $0x0  }
0x1f: {  	s9 =	smul.u32 $0xF7A, s1;
	s8 =	simm.s32 @!p0 $0x1BF5;
	p2 =	por !p2, p0  }
0x20: {  	[sflag:s8] =	ssyncset.s32 @!p0 $0xFFFFF086;
	s6 =	sadd.s32 @!p0 s3, s7;
	s7 =	simm.s32 @!p0 $0x108  }
0x21: {  	s3 =	sadd.s32 s3, s9;
	s6 =	sadd.s32 @!p0 $0x88, s6;
	s7 =	simm.s32 @p2 $0x1082  }
0x22: {  	[simem:s7], [sflag:s8] =	dma.local @!p0 [hbm:s6], $0xF7A  }
0x23: {  	s9 =	sor.u32 $0xD0000000, s2;
	s6 =	simm.s32 $0x108;
	_ =	swait.ge @!p0 [sflag:s8], $0x0  }
0x24: {  	s3 =	sadd.s32 $0x88, s3;
	s6 =	simm.s32 @!p1 $0x1082;
	[sflag:s4] =	ssyncset.s32 $0xFFFFF086  }
0x25: {  	[simem:s6], [sflag:s4] =	dma.local [hbm:s3], $0xF7A  }
0x26: {  	[smem:$0x3F9F] =	sst s1;
	(tag) =	ssettag s2;
	_ =	strace s9  }
0x27: {  	s1 =	sld [smem:$0x3FAF]  }
0x28: {  	s2 =	sld [smem:$0x3FB0]  }
0x29: {  	s4 =	sld [smem:$0x3FB2]  }
0x2a: {  	p0 =	seq.s32 s5, $0x0;
	s5 =	sld [smem:$0x3FB3]  }
0x2b: {  	s6 =	sld [smem:$0x3FB4]  }
0x2c: {  	s7 =	sld [smem:$0x3FB5]  }
0x2d: {  	s3 =	simm.s32 $0x108;
	s8 =	sld [smem:$0x3FB6]  }
0x2e: {  	s3 =	simm.s32 @!p0 $0x1082;
	s9 =	sld [smem:$0x3FB7]  }
0x2f: {  	lr =	sadd.s32 s0, s3;
	s0 =	sld [smem:$0x3FAE]  }
0x30: {  	s3 =	sld [smem:$0x3FB1]  }
0x31: {  	[smem:$0x3FBA] =	sst s10  }
0x32: {  	s10 =	sld [smem:$0x3FB8];
	_ =	sdelay $0x3  }
0x33: {  	p0 =	seq.s32 s10, $0x1;
	s10 =	sld [smem:$0x3FBA];
	_ =	sdelay $0x3  }
0x34: {  	[smem:$0x3FBA] =	sst s10  }
0x35: {  	s10 =	sld [smem:$0x3FB9];
	_ =	sdelay $0x3  }
0x36: {  	p1 =	seq.s32 s10, $0x1;
	s10 =	sld [smem:$0x3FBA];
	_ =	sdelay $0x3  }
0x37: {  	[smem:$0x3FBA] =	sst s10  }
0x38: {  	s10 =	sld [smem:$0x3FBB]  }
0x39: {  	_ = 	snop;
	(pc) =	sbr.ind lr, $3  }
0x3a: {  	_ = 	snop  }
0x3b: {  	_ = 	snop  }
0x3c: {  	p2 =	seq.s32 s10, $0x1;
	s10 =	sld [smem:$0x3FBA]  }
0x3d: {  	_ =	shalt  }
0x3e: {  	_ =	shalt  }
0x3f: {  	_ =	shalt  }
0x40: {  	_ =	shalt  }
0x41: {  	_ =	shalt  }
0x42: {  	_ =	shalt  }
0x43: {  	_ =	shalt  }
0x44: {  	_ =	shalt  }
0x45: {  	_ =	shalt  }
0x46: {  	_ =	shalt  }
0x47: {  	_ =	shalt  }
0x48: {  	_ =	shalt  }
0x49: {  	_ =	shalt  }
0x4a: {  	_ =	shalt  }
0x4b: {  	_ =	shalt  }
0x4c: {  	_ =	shalt  }
0x4d: {  	_ =	shalt  }
0x4e: {  	_ =	shalt  }
0x4f: {  	_ =	shalt  }
0x50: {  	_ =	shalt  }
0x51: {  	_ =	shalt  }
0x52: {  	_ =	shalt  }
0x53: {  	_ =	shalt  }
0x54: {  	_ =	shalt  }
0x55: {  	_ =	shalt  }
0x56: {  	_ =	shalt  }
0x57: {  	_ =	shalt  }
0x58: {  	_ =	shalt  }
0x59: {  	_ =	shalt  }
0x5a: {  	_ =	shalt  }
0x5b: {  	_ =	shalt  }
0x5c: {  	_ =	shalt  }
0x5d: {  	_ =	shalt  }
0x5e: {  	_ =	shalt  }
0x5f: {  	_ =	shalt  }
0x60: {  	_ =	shalt  }
0x61: {  	_ =	shalt  }
0x62: {  	_ =	shalt  }
0x63: {  	_ =	shalt  }
0x64: {  	_ =	shalt  }
0x65: {  	_ =	shalt  }
0x66: {  	_ =	shalt  }
0x67: {  	_ =	shalt  }
0x68: {  	_ =	shalt  }
0x69: {  	_ =	shalt  }
0x6a: {  	_ =	shalt  }
0x6b: {  	_ =	shalt  }
0x6c: {  	_ =	shalt  }
0x6d: {  	_ =	shalt  }
0x6e: {  	_ =	shalt  }
0x6f: {  	_ =	shalt  }
0x70: {  	_ =	shalt  }
0x71: {  	_ =	shalt  }
0x72: {  	_ =	shalt  }
0x73: {  	_ =	shalt  }
0x74: {  	_ =	shalt  }
0x75: {  	_ =	shalt  }
0x76: {  	_ =	shalt  }
0x77: {  	_ =	shalt  }
0x78: {  	_ =	shalt  }
0x79: {  	_ =	shalt  }
0x7a: {  	_ =	shalt  }
0x7b: {  	_ =	shalt  }
0x7c: {  	_ =	shalt  }
0x7d: {  	_ =	shalt  }
0x7e: {  	_ =	shalt  }
0x7f: {  	_ =	shalt  }
0x80: {  	_ =	shalt  }
0x81: {  	_ =	shalt  }
0x82: {  	_ =	shalt  }
0x83: {  	_ =	shalt  }
0x84: {  	_ =	shalt  }
0x85: {  	_ =	shalt  }
0x86: {  	_ =	shalt  }
0x87: {  	_ =	shalt  }
.Lfunc_end0:
.L_simem_size_0:
called_computation_lowered:
.L_overlay_start_0:
0x88: {  	s2 =	sld [smem:$0x3FD9]  }
0x89: {  	s3 =	sld [smem:$0x3FFE];
	_ =	sdelay $0x1  }
0x8a: {  	s1 =	srdreg.scid  }
0x8b: {  	s0 =	sand.u32 $0x1, s1  }
0x8c: {  	s17 =	sshll.u32 s0, $0xA;
	s2 =	sadd.s32 s3, s2  }
0x8d: {  	s2 =	sadd.s32 s2, s17  }
0x8e: {  	[smem:$0x3FC6] =	sst s2  }
0x8f: {  	_ = 	snop  }
0x90: {  	s2 =	sld [smem:$0x3FC9]  }
0x91: {  	s18 =	sld [smem:$0x3FD0];
	(tm) =	ssettm $0x1  }
0x92: {  	s4 =	sld [smem:$0x3FFB];
	_ =	sdelay $0x3  }
0x93: {  	_ =	strace s4  }
0x94: {  	s4 =	sld [smem:$0x3FFC];
	_ =	sdelay $0x3  }
0x95: {  	_ =	strace s4  }
0x96: {  	s4 =	sld [smem:$0x3FFD];
	_ =	sdelay $0x3  }
0x97: {  	_ =	strace s4  }
0x98: {  	_ =	strace $0x8FFFFFFF  }
0x99: {  	s19 =	sld [smem:$0x3FDB];
	_ =	sdelay $0x1  }
0x9a: {  	s5 =	simm.s32 $_scs_section_size  }
0x9b: {  	s6 =	simm.s32 $_size__tile_overlayer_lowered;
	s7 =	simm.s32 $_tile_overlayer_lowered  }
0x9c: {  	s22 =	simm.s32 $0x1BFF;
	s21 =	sshll.u32 s7, $0x1;
	s4 =	sadd.s32 s5, s19  }
0x9d: {  	s8 =	simm.s32 $0x0;
	s20 =	sshll.u32 s6, $0x1;
	s6 =	sadd.s32 s21, s4  }
0x9e: {  	[timem:s8], [sflag:s22] =	dma.local [hbm:s6], s20  }
0x9f: {  	_ =	swait.ge [sflag:s22], s20  }
0xa0: {  	s5 =	ssub.s32 $0x0, s20;
	[sflag:s22] =	ssyncset.done $0x0  }
0xa1: {  	[sflag:s22] =	ssyncadd.s32 s5;
	_ =	sdelay $0x1  }
0xa2: {  	s23 =	simm.s32 $0x1B8B  }
0xa3: {  	_ =	swait.ge [sflag:s23], $0x1  }
0xa4: {  	[sflag:s23] =	ssyncset.done $0x0  }
0xa5: {  	s25 =	simm.s32 $0x1B8E;
	s24 =	sld [smem:$0x3FFE];
	[sflag:s23] =	ssyncadd.s32 $0xFFFFFFFF  }
0xa6: {  	s26 =	simm.s32 $execute0_lowered;
	[smem:$0x3FD2] =	sst s25  }
0xa7: {  	s6 =	sshll.u32 s26, $0x1;
	_ =	strace $0x80000046;
	[dreg:$0x1] =	wrdreg $0xFFFFFFFF  }
0xa8: {  	s28 =	simm.s32 $_size_execute0_lowered;
	s4 =	sadd.s32 s4, s6;
	[dreg:$0x0] =	wrdreg $0x0  }
0xa9: {  	s6 =	sshll.u32 s28, $0x1;
	[dreg:$0x2] =	wrdreg s4  }
0xaa: {  	[dreg:$0x3] =	wrdreg s6  }
0xab: {  	[dreg:$0x4] =	wrdreg $0xC0  }
0xac: {  	_ =	task [dreg:s8], $0x5FFFF  }
0xad: {  	[dreg:$0x1] =	wrdreg $0xFFFFFFFF  }
0xae: {  	[dreg:$0x0] =	wrdreg $0x60  }
0xaf: {  	[dreg:$0x2] =	wrdreg s2  }
0xb0: {  	[dreg:$0x3] =	wrdreg s18  }
0xb1: {  	[dreg:$0x4] =	wrdreg s24  }
0xb2: {  	[dreg:$0x5] =	wrdreg $0x28800  }
0xb3: {  	[dreg:$0x6] =	wrdreg $0x9  }
0xb4: {  	_ =	task.clear_ibuf [dreg:s8], $0x7FFFF;
	_ =	strace $0x90000046  }
0xb5: {  	s29 =	simm.s32 $0x9;
	_ =	strace $0x80000048  }
0xb6: {  	_ =	swait.ge [sflag:s29], $0x1  }
0xb7: {  	[sflag:s29] =	ssyncadd.s32 $0xFFFFFFFF  }
0xb8: {  	_ =	strace $0x90000048  }
0xb9: {  	_ =	sfence  }
0xba: {  	s30 =	sld [smem:$0x0];
	_ =	sdelay $0x2  }
0xbb: {  	s31 =	sshll.u32 s1, $0xD;
	s1 =	sshrl.u32 s1, $0x2  }
0xbc: {  	s3 =	sand.u32 $0x4000, s31;
	s1 =	sadd.s32 s1, s30  }
0xbd: {  	s0 =	sor.u32 s3, s0;
	s1 =	sshll.u32 s1, $0x11  }
0xbe: {  	s0 =	sor.u32 s1, s0  }
0xbf: {  	s0 =	sadd.s32 $0x8F2B, s0  }
0xc0: {  	[sflag:s0] =	ssyncadd.remote.s32 $0x1  }
0xc1: {  	_ =	sfence.sel $0xFFFF  }
0xc2: {  	[dreg:$0x0] =	wrdreg $0xFFFFFFFF;
	(pc) =	sbr.abs _section_cstart, $3  }
0xc3: {  	[dreg:$0x1] =	wrdreg $0xFFFFFFFF  }
0xc4: {  	_ =	task.clear_ibuf [dreg:s8], $0x2FFFF;
	_ =	strace $0x9FFFFFFF  }
0xc5: {  	(tm) =	ssettm $0x7FFFFFFF  }
tec
execute0_lowered:
.L_overlay_start_1:
0x0: {  	(tag) =	ssettag $0x1  }
0x1: {  	s14 =	rddreg [dreg:$0x0]  }
0x2: {  	s10 =	rddreg [dreg:$0x1]  }
0x3: {  	s4 =	rddreg [dreg:$0x2];
	s0 =	srdreg.scid  }
0x4: {  	s2 =	rddreg [dreg:$0x3];
	s22 =	stileid.u32  }
0x5: {  	s3 =	simm.s32 $0x0;
	s19 =	simm.s32 $0x3;
	s6 =	smul.u32 $0x14000, s22  }
0x6: {  	s20 =	simm.s32 $0x2800;
	s21 =	simm.s32 $0x2;
	s8 =	smul.u32 $0x50000, s22  }
0x7: {  	s28 =	simm.s32 $0x0;
	s11 =	sand.u32 $0x1, s0;
	s18 =	smul.u32 $0x27100, s22  }
0x8: {  	[smem:$0x7FF] =	sst s3;
	s5 =	smul.u32 $0x140000, s11;
	s7 =	sshll.u32 s11, $0x4  }
0x9: {  	_ =	strace $0x80000047;
	s24 =	ssub.s32 $0x2, s11;
	s30 =	smul.u32 $0x271000, s11  }
0xa: {  	s7 =	sor.u32 s22, s7;
	s25 =	sshrl.u32 s24, $0x1;
	s8 =	sshrl.u32 s8, $0x2  }
0xb: {  	s22 =	simm.s32 $0x80;
	s5 =	sadd.s32 s6, s5;
	s26 =	smul.u32 $0x27100, s7  }
0xc: {  	s23 =	sshll.u32 s7, $0x4;
	s16 =	ssub.s32 s24, s25;
	s13 =	smul.u32 $0x500, s7  }
0xd: {  	s17 =	smul.u32 $0x138800, s7;
	s24 =	simm.s32 $0x2600;
	s25 =	simm.s32 $0x2680  }
0xe: {  	s5 =	sshrl.u32 s5, $0x3;
	s12 =	sadd.s32 s23, s4;
	s23 =	simm.s32 $0x1  }
0xf: {  	s15 =	sadd.s32 s5, s4;
	s4 =	sadd.s32 s8, s2;
	s5 =	sadd.s32 s14, s26  }
0x10: {  	s10 =	sadd.s32 s10, s13;
	s29 =	sshrl.u32 s17, $0x3;
	s11 =	sadd.s32 $0x600, s12  }
0x11: {  	s17 =	sadd.s32 s30, s14;
	s26 =	simm.s32 $0x10;
	s6 =	sadd.s32 $0x4000, s4  }
0x12: {  	s7 =	sadd.s32 $0x8000, s4;
	s8 =	sadd.s32 $0xC000, s4;
	s9 =	sadd.s32 $0x10000, s4  }
0x13: {  	s13 =	sadd.s32 s14, s29;
	s14 =	sadd.s32 $0x800, s15;
	s15 =	smax.u32 s16, $0x1  }
0x14: {  	s31 =	sadd.s32 s18, s17;
	s17 =	simm.s32 $0x1A880;
	s18 =	simm.s32 $0x16880  }
0x15: {  	v0 =	vimm.f32 $0.0e+00;
	s12 =	sadd.s32 $0x26800, s13;
	s13 =	sadd.s32 $0x27000, s13;
	s16 =	sadd.s32 $0x1000, s31  }
.LBB2_1:
0x16: {  	[tilespmem:s17], [sflag:$0x2] =	stream.linear.gather [hbm4b:s5+s3], $0x4000, $0x38;
	[tilespmem:$0x1E880] =	vst v63  }
0x17: {  	s29 =	simm.s32 $0x0;
	s30 =	simm.s32 $0x200  }
.LBB2_2:
0x18: {  	p0 =	sne.s32 s30, $0xFE00;
	[tilespmem:s29+$0x168F0] =	vst v0  }
0x19: {  	[tilespmem:s29+$0x16880] =	vst v0  }
0x1a: {  	[tilespmem:s29+$0x16890] =	vst v0  }
.Ltmp0:
0x1b: {  	[tilespmem:s29+$0x168A0] =	vst v0;
	(pc) =	sbr.rel @p0 .LBB2_2-.Ltmp0, $4  }
0x1c: {  	[tilespmem:s29+$0x168B0] =	vst v0  }
0x1d: {  	[tilespmem:s29+$0x168C0] =	vst v0  }
0x1e: {  	[tilespmem:s29+$0x168D0] =	vst v0  }
0x1f: {  	[tilespmem:s29+$0x168E0] =	vst v0;
	s29 =	sshra.s32 s30, $0x2;
	s30 =	sadd.s32 $0x200, s30  }
0x20: {  	[tilespmem:s29+$0x168F0] =	vst v0  }
0x21: {  	[tilespmem:s29+$0x16880] =	vst v0  }
0x22: {  	[tilespmem:s29+$0x16890] =	vst v0  }
0x23: {  	[tilespmem:s29+$0x168A0] =	vst v0  }
0x24: {  	[tilespmem:s29+$0x168B0] =	vst v0  }
0x25: {  	[tilespmem:s29+$0x168C0] =	vst v0  }
0x26: {  	[tilespmem:s29+$0x168D0] =	vst v0  }
0x27: {  	[tilespmem:s29+$0x168E0] =	vst v0  }
0x28: {  	[spmem:s4] =	stream.linear.scatter [tilespmem:s18], [sflag:$0x3], $0x4000, $0x38;
	[tilespmem:$0x1E880] =	vst v63  }
0x29: {  	_ =	swait.ge [sflag:s19], $0x4000  }
0x2a: {  	[sflag:s19] =	ssyncset.done $0x0  }
0x2b: {  	[sflag:s19] =	ssyncadd.s32 $0xFFFFC000  }
0x2c: {  	[spmem:s6] =	stream.linear.scatter [tilespmem:s18], [sflag:$0x3], $0x4000, $0x38;
	[tilespmem:$0x1E880] =	vst v63  }
0x2d: {  	_ =	swait.ge [sflag:s19], $0x4000  }
0x2e: {  	[sflag:s19] =	ssyncset.done $0x0  }
0x2f: {  	[sflag:s19] =	ssyncadd.s32 $0xFFFFC000  }
0x30: {  	[spmem:s7] =	stream.linear.scatter [tilespmem:s18], [sflag:$0x3], $0x4000, $0x38;
	[tilespmem:$0x1E880] =	vst v63  }
0x31: {  	_ =	swait.ge [sflag:s19], $0x4000  }
0x32: {  	[sflag:s19] =	ssyncset.done $0x0  }
0x33: {  	[sflag:s19] =	ssyncadd.s32 $0xFFFFC000  }
0x34: {  	[spmem:s8] =	stream.linear.scatter [tilespmem:s18], [sflag:$0x3], $0x4000, $0x38;
	[tilespmem:$0x1E880] =	vst v63  }
0x35: {  	_ =	swait.ge [sflag:s19], $0x4000  }
0x36: {  	[sflag:s19] =	ssyncset.done $0x0  }
0x37: {  	[sflag:s19] =	ssyncadd.s32 $0xFFFFC000  }
0x38: {  	[spmem:s9] =	stream.linear.scatter [tilespmem:s18], [sflag:$0x3], $0x4000, $0x38;
	[tilespmem:$0x1E880] =	vst v63  }
0x39: {  	_ =	swait.ge [sflag:s19], $0x4000  }
0x3a: {  	[sflag:s19] =	ssyncset.done $0x0  }
0x3b: {  	s29 =	simm.s32 $0x0;
	[sflag:s19] =	ssyncadd.s32 $0xFFFFC000  }
0x3c: {  	[tilespmem:s29], [sflag:$0x3] =	stream.linear.gather [hbm4b:s10+s29], $0x2700, $0x38;
	[tilespmem:$0x1E880] =	vst v63  }
0x3d: {  	_ =	swait.ge [sflag:s19], $0x2700  }
0x3e: {  	[sflag:s19] =	ssyncset.done $0x0  }
0x3f: {  	[sflag:s19] =	ssyncadd.s32 $0xFFFFD900  }
0x40: {  	[tilespmem:s20], [sflag:$0x3] =	stream.linear.gather [hbm4b:s11+s29], $0x80, $0x38;
	[tilespmem:$0x1E880] =	vst v63  }
0x41: {  	_ =	swait.ge [sflag:s19], $0x80  }
0x42: {  	[sflag:s19] =	ssyncset.done $0x0  }
0x43: {  	[sflag:s19] =	ssyncadd.s32 $0xFFFFFF80  }
0x44: {  	s29 =	sadd.s32 $0xFFFFF800, s16;
	[bflag:$0x0] =	sbarrier.arrive $0xFFFF  }
0x45: {  	[tilespmem:s18], [sflag:$0x1] =	stream.linear.gather [hbm4b:s29+s3], $0x4000, $0x38;
	[tilespmem:$0x1E880] =	vst v63  }
0x46: {  	_ =	swait.ge [sflag:s21], $0x4000  }
0x47: {  	[sflag:s21] =	ssyncset.done $0x0  }
0x48: {  	s29 =	simm.s32 $0x0;
	[sflag:s21] =	ssyncadd.s32 $0xFFFFC000  }
0x49: {  	[spmem:s2] =	stream.indirect.scatter.add.f32 [tilespmem:s17], [sflag:$0x3], $0x80, s29, s22, $0xb8;
	[tilespmem:$0x1E880] =	vst v63  }
0x4a: {  	_ =	swait.ge [sflag:s19], $0x4000  }
0x4b: {  	[sflag:s19] =	ssyncset.done $0x0  }
0x4c: {  	[sflag:s19] =	ssyncadd.s32 $0xFFFFC000  }
0x4d: {  	[tilespmem:s17], [sflag:$0x2] =	stream.linear.gather [hbm4b:s16+s3], $0x4000, $0x38;
	[tilespmem:$0x1E880] =	vst v63  }
0x4e: {  	_ =	swait.ge [sflag:s23], $0x4000  }
0x4f: {  	[sflag:s23] =	ssyncset.done $0x0  }
0x50: {  	s29 =	simm.s32 $0x80;
	[sflag:s23] =	ssyncadd.s32 $0xFFFFC000  }
0x51: {  	[spmem:s2] =	stream.indirect.scatter.add.f32 [tilespmem:s18], [sflag:$0x3], $0x80, s29, s22, $0xb8;
	[tilespmem:$0x1E880] =	vst v63  }
0x52: {  	s30 =	simm.s32 $0x400;
	_ =	swait.ge [sflag:s19], $0x4000  }
0x53: {  	s31 =	simm.s32 $0x800;
	s29 =	sadd.s32 $0x1000, s16;
	[sflag:s19] =	ssyncset.done $0x0  }
.LBB2_4:
0x54: {  	p0 =	sne.s32 s31, $0x9400;
	s0 =	sadd.s32 $0xFFFFF800, s29;
	[sflag:s19] =	ssyncadd.s32 $0xFFFFC000  }
0x55: {  	[tilespmem:s18], [sflag:$0x1] =	stream.linear.gather [hbm4b:s0+s3], $0x4000, $0x38;
	[tilespmem:$0x1E880] =	vst v63  }
0x56: {  	s0 =	smov.u32 s31;
	s31 =	sadd.s32 $0x400, s31;
	_ =	swait.ge [sflag:s21], $0x4000  }
0x57: {  	[sflag:s21] =	ssyncset.done $0x0  }
0x58: {  	s1 =	sshra.s32 s30, $0x2;
	s30 =	smov.u32 s0;
	[sflag:s21] =	ssyncadd.s32 $0xFFFFC000  }
0x59: {  	[spmem:s2] =	stream.indirect.scatter.add.f32 [tilespmem:s17], [sflag:$0x3], $0x80, s1, s22, $0xb8;
	[tilespmem:$0x1E880] =	vst v63  }
0x5a: {  	_ =	swait.ge [sflag:s19], $0x4000  }
0x5b: {  	[sflag:s19] =	ssyncset.done $0x0  }
0x5c: {  	[sflag:s19] =	ssyncadd.s32 $0xFFFFC000  }
0x5d: {  	[tilespmem:s17], [sflag:$0x2] =	stream.linear.gather [hbm4b:s29+s3], $0x4000, $0x38;
	[tilespmem:$0x1E880] =	vst v63  }
0x5e: {  	_ =	swait.ge [sflag:s23], $0x4000  }
.Ltmp1:
0x5f: {  	[sflag:s23] =	ssyncset.done $0x0;
	(pc) =	sbr.rel @p0 .LBB2_4-.Ltmp1, $4  }
0x60: {  	s0 =	sadd.s32 $0x80, s1;
	[sflag:s23] =	ssyncadd.s32 $0xFFFFC000  }
0x61: {  	[spmem:s2] =	stream.indirect.scatter.add.f32 [tilespmem:s18], [sflag:$0x3], $0x80, s0, s22, $0xb8;
	[tilespmem:$0x1E880] =	vst v63  }
0x62: {  	_ =	swait.ge [sflag:s19], $0x4000  }
0x63: {  	s29 =	sadd.s32 $0x1000, s29;
	[sflag:s19] =	ssyncset.done $0x0  }
0x64: {  	s0 =	sadd.s32 $0xFFFFF800, s29;
	[sflag:s19] =	ssyncadd.s32 $0xFFFFC000  }
0x65: {  	[tilespmem:s18], [sflag:$0x1] =	stream.linear.gather [hbm4b:s0+s3], $0x4000, $0x38;
	[tilespmem:$0x1E880] =	vst v63  }
0x66: {  	_ =	swait.ge [sflag:s21], $0x4000  }
0x67: {  	[sflag:s21] =	ssyncset.done $0x0  }
0x68: {  	s30 =	sshra.s32 s30, $0x2;
	[sflag:s21] =	ssyncadd.s32 $0xFFFFC000  }
0x69: {  	[spmem:s2] =	stream.indirect.scatter.add.f32 [tilespmem:s17], [sflag:$0x3], $0x80, s30, s22, $0xb8;
	[tilespmem:$0x1E880] =	vst v63  }
0x6a: {  	_ =	swait.ge [sflag:s19], $0x4000  }
0x6b: {  	[sflag:s19] =	ssyncset.done $0x0  }
0x6c: {  	[sflag:s19] =	ssyncadd.s32 $0xFFFFC000  }
0x6d: {  	[tilespmem:s17], [sflag:$0x2] =	stream.linear.gather [hbm4b:s29+s3], $0x4000, $0x38;
	[tilespmem:$0x1E880] =	vst v63  }
0x6e: {  	_ =	swait.ge [sflag:s23], $0x4000  }
0x6f: {  	[sflag:s23] =	ssyncset.done $0x0  }
0x70: {  	s0 =	sadd.s32 $0x80, s30;
	[sflag:s23] =	ssyncadd.s32 $0xFFFFC000  }
0x71: {  	[spmem:s2] =	stream.indirect.scatter.add.f32 [tilespmem:s18], [sflag:$0x3], $0x80, s0, s22, $0xb8;
	[tilespmem:$0x1E880] =	vst v63  }
0x72: {  	_ =	swait.ge [sflag:s19], $0x4000  }
0x73: {  	[sflag:s19] =	ssyncset.done $0x0  }
0x74: {  	[sflag:s19] =	ssyncadd.s32 $0xFFFFC000  }
0x75: {  	[tilespmem:s18], [sflag:$0x1] =	stream.linear.gather [hbm4b:s12+s3], $0x4000, $0x38;
	[tilespmem:$0x1E880] =	vst v63  }
0x76: {  	_ =	swait.ge [sflag:s21], $0x4000  }
0x77: {  	[sflag:s21] =	ssyncset.done $0x0  }
0x78: {  	[sflag:s21] =	ssyncadd.s32 $0xFFFFC000  }
0x79: {  	[spmem:s2] =	stream.indirect.scatter.add.f32 [tilespmem:s17], [sflag:$0x3], $0x80, s24, s22, $0xb8;
	[tilespmem:$0x1E880] =	vst v63  }
0x7a: {  	_ =	swait.ge [sflag:s19], $0x4000  }
0x7b: {  	[sflag:s19] =	ssyncset.done $0x0  }
0x7c: {  	[sflag:s19] =	ssyncadd.s32 $0xFFFFC000  }
0x7d: {  	[tilespmem:s17], [sflag:$0x2] =	stream.linear.gather [hbm4b:s13+s3], $0x800, $0x38;
	[tilespmem:$0x1E880] =	vst v63  }
0x7e: {  	_ =	swait.ge [sflag:s23], $0x4000  }
0x7f: {  	[sflag:s23] =	ssyncset.done $0x0  }
0x80: {  	[sflag:s23] =	ssyncadd.s32 $0xFFFFC000  }
0x81: {  	[spmem:s2] =	stream.indirect.scatter.add.f32 [tilespmem:s18], [sflag:$0x3], $0x80, s25, s22, $0xb8;
	[tilespmem:$0x1E880] =	vst v63  }
0x82: {  	_ =	swait.ge [sflag:s19], $0x4000  }
0x83: {  	[sflag:s19] =	ssyncset.done $0x0  }
0x84: {  	[sflag:s19] =	ssyncadd.s32 $0xFFFFC000  }
0x85: {  	_ =	swait.ge [sflag:s21], $0x800  }
0x86: {  	[sflag:s21] =	ssyncset.done $0x0  }
0x87: {  	[sflag:s21] =	ssyncadd.s32 $0xFFFFF800  }
0x88: {  	[spmem:s2] =	stream.indirect.scatter.add.f32 [tilespmem:s17], [sflag:$0x3], $0x80, s20, s26, $0xb8;
	[tilespmem:$0x1E880] =	vst v63  }
0x89: {  	s31 =	stileid.u32;
	_ =	swait.ge [sflag:s19], $0x800  }
0x8a: {  	s1 =	sshrl.u32 s4, $0x3;
	s28 =	sadd.s32 $0x1, s28;
	[sflag:s19] =	ssyncset.done $0x0  }
0x8b: {  	p0 =	sne.s32 s28, s15;
	s0 =	sshll.u32 s31, $0x6;
	[sflag:s19] =	ssyncadd.s32 $0xFFFFF800  }
.Ltmp2:
0x8c: {  	s0 =	sor.u32 $0x1C03, s0;
	[bflag:$0x0] =	sbarrier.arrive $0xFFFF;
	(pc) =	sbr.rel @p0 .LBB2_1-.Ltmp2, $4  }
0x8d: {  	[hbm:s14], [sflag:s0] =	dma.local [spmem:s1], $0x2800  }
0x8e: {  	_ =	swait.ge [sflag:s19], $0x2800  }
0x8f: {  	[sflag:s19] =	ssyncset.done $0x0  }
0x90: {  	[sflag:s19] =	ssyncadd.s32 $0xFFFFD800  }
0x91: {  	_ =	sfence.sel $0x180000  }
0x92: {  	[bflag:$0x0] =	sbarrier.arrive $0xFFFF  }
0x93: {  	_ =	strace $0x90000047  }
0x94: {  	s0 =	stileid.u32;
	[bflag:$0x2] =	sbarrier.arrive $0xFFFF  }
0x95: {  	p0 =	sne.s32 s0, $0x0;
	s0 =	rddreg [dreg:$0x4]  }
0x96: {  	s0 =	sadd.s32 @!p0 $0x100000, s0  }
0x97: {  	[sflag:s0] =	ssyncadd.tile.s32 @!p0 $0x1;
	_ =	shalt  }
.Lfunc_end2:
_tile_overlayer_lowered:
.L_overlay_start_2:
0x98: {  	(tag) =	ssettag $0x2  }
0x99: {  	s0 =	rddreg [dreg:$0x0];
	s2 =	stileid.u32  }
0x9a: {  	s1 =	rddreg [dreg:$0x1];
	p0 =	sne.s32 s2, $0x0  }
0x9b: {  	s3 =	rddreg [dreg:$0x2];
	[bflag:$0x3] =	sbarrier.arrive $0xFFFF;
	s2 =	simm.s32 @!p0 $0x1C03  }
0x9c: {  	[timem:s3], [sflag:s2] =	dma.local @!p0 [hbm:s0], s1  }
0x9d: {  	s0 =	simm.s32 @!p0 $0x3  }
0x9e: {  	_ =	swait.ge @!p0 [sflag:s0], s1  }
0x9f: {  	s1 =	ssub.s32 @!p0 $0x0, s1;
	[sflag:s0] =	ssyncset.done @!p0 $0x0  }
0xa0: {  	[sflag:s0] =	ssyncadd.s32 @!p0 s1  }
0xa1: {  	[bflag:$0x3] =	sbarrier.arrive $0xFFFF  }
0xa2: {  	_ =	shalt  }

</sc_bundles>
